<compile_context>
chip_gen: v7x
topology: tpu7x:2x2x1
jax: 0.10.2.dev20260603
libtpu: 0.0.44.dev20260713+nightly
codegen_flags: <defaults>
</compile_context>

<pallas_src>
import functools

import jax
import jax.numpy as jnp
from jax import lax
from jax.experimental import pallas as pl
from jax.experimental.pallas import tpu as pltpu
from jax.experimental.pallas import tpu_sc as plsc

N = 10000
NP = 10240
E = 320000
D = 128
NC = 2
NS = 16
NW = NC * NS
EB = 128
KB = 80
CB = 8
_SC_PARAMS = pltpu.CompilerParams(use_tc_tiling_on_sc=False)
EPAD = NW * KB * EB
ROWS_PER_SUB = NP // NS

_MESH = plsc.VectorSubcoreMesh(core_axis_name="c", subcore_axis_name="s")


def _sc_degree_body(dstm_hbm, deg_hbm, dst_v, ones_v, zero_v, sem, acc_sh):
    c = lax.axis_index("c")
    s = lax.axis_index("s")
    wid = c * NS + s

    @pl.loop(0, EB, step=16)
    def _(i):
        ones_v[pl.ds(i, 16)] = jnp.ones((16,), jnp.float32)

    @pl.loop(0, ROWS_PER_SUB, step=16)
    def _(i):
        zero_v[pl.ds(i, 16)] = jnp.zeros((16,), jnp.float32)

    base = s * ROWS_PER_SUB
    pltpu.sync_copy(zero_v, acc_sh.at[pl.ds(base, ROWS_PER_SUB)])
    plsc.subcore_barrier()

    pltpu.sync_copy(dstm_hbm.at[pl.ds(wid * KB, KB)], dst_v)

    @pl.loop(0, KB)
    def _(j):
        pltpu.sync_copy(ones_v, acc_sh.at[dst_v.at[j]], add=True)

    plsc.subcore_barrier()
    pltpu.sync_copy(acc_sh.at[pl.ds(base, ROWS_PER_SUB)],
                    deg_hbm.at[c, pl.ds(base, ROWS_PER_SUB)])


def _sc_degree(dstm):
    return pl.kernel(
        _sc_degree_body,
        out_type=jax.ShapeDtypeStruct((NC, NP), jnp.float32),
        mesh=_MESH,
        scratch_types=[
            pltpu.VMEM((KB, EB), jnp.int32),
            pltpu.VMEM((EB,), jnp.float32),
            pltpu.VMEM((ROWS_PER_SUB,), jnp.float32),
            pltpu.SemaphoreType.DMA,
            pltpu.VMEM_SHARED((NP,), jnp.float32),
        ],
        compiler_params=_SC_PARAMS,
    )(dstm)


def _sc_agg_body(y_hbm, srcm_hbm, dstm_hbm, z_hbm, src_v, dst_v, rows_a,
                 rows_b, sem_a, sem_b, acc_sh):
    c = lax.axis_index("c")
    s = lax.axis_index("s")
    wid = c * NS + s

    @pl.loop(0, EB)
    def _(i):
        @pl.loop(0, D, step=16)
        def _(j):
            rows_a[i, pl.ds(j, 16)] = jnp.zeros((16,), jnp.float32)

    base = s * ROWS_PER_SUB

    @pl.loop(0, ROWS_PER_SUB // EB)
    def _(k):
        pltpu.sync_copy(rows_a, acc_sh.at[pl.ds(base + k * EB, EB)])

    plsc.subcore_barrier()

    bufs = (rows_a, rows_b)
    sems = (sem_a, sem_b)

    def _fire(j, k):
        pltpu.async_copy(y_hbm.at[src_v.at[j]], bufs[k], sems[k])

    def _drain(j, k):
        pltpu.make_async_copy(y_hbm.at[src_v.at[j]], bufs[k], sems[k]).wait()

    @pl.loop(0, KB // CB)
    def _(ci):
        row0 = wid * KB + ci * CB
        pltpu.sync_copy(srcm_hbm.at[pl.ds(row0, CB)], src_v)
        pltpu.sync_copy(dstm_hbm.at[pl.ds(row0, CB)], dst_v)

        for k in range(2):
            _fire(k, k)

        @pl.loop(0, CB, step=2)
        def _(j):
            for k in range(2):
                _drain(j + k, k)
                pltpu.sync_copy(bufs[k], acc_sh.at[dst_v.at[j + k]], add=True)

                @pl.when(j + k + 2 < CB)
                def _():
                    _fire(j + k + 2, k)

    plsc.subcore_barrier()
    pltpu.sync_copy(acc_sh.at[pl.ds(base, ROWS_PER_SUB)],
                    z_hbm.at[c, pl.ds(base, ROWS_PER_SUB)])


def _sc_agg(y, srcm, dstm):
    return pl.kernel(
        _sc_agg_body,
        out_type=jax.ShapeDtypeStruct((NC, NP, D), jnp.float32),
        mesh=_MESH,
        scratch_types=[
            pltpu.VMEM((CB, EB), jnp.int32),
            pltpu.VMEM((CB, EB), jnp.int32),
            pltpu.VMEM((EB, D), jnp.float32),
            pltpu.VMEM((EB, D), jnp.float32),
            pltpu.SemaphoreType.DMA,
            pltpu.SemaphoreType.DMA,
            pltpu.VMEM_SHARED((NP, D), jnp.float32),
        ],
        compiler_params=_SC_PARAMS,
    )(y, srcm, dstm)


def _dinv(deg_ref):
    deg = deg_ref[0] + deg_ref[1] + 1.0
    return lax.rsqrt(jnp.maximum(deg, 1.0))


def _tc_prescale_body(deg_ref, x_ref, y_ref):
    y_ref[...] = x_ref[...] * _dinv(deg_ref)[:, None]


def _tc_prescale(deg_p, x_p):
    blk = 1024
    return pl.pallas_call(
        _tc_prescale_body,
        grid=(NP // blk,),
        in_specs=[
            pl.BlockSpec((NC, blk), lambda i: (0, i)),
            pl.BlockSpec((blk, D), lambda i: (i, 0)),
        ],
        out_specs=pl.BlockSpec((blk, D), lambda i: (i, 0)),
        out_shape=jax.ShapeDtypeStruct((NP, D), jnp.float32),
    )(deg_p, x_p)


def _tc_mid_body(z_ref, y_ref, deg_ref, w1_ref, b1_ref, w2_ref, out_ref):
    dinv = _dinv(deg_ref)[:, None]
    agg = (z_ref[0] + z_ref[1] + y_ref[...]) * dinv
    h = jnp.dot(agg, w1_ref[...], preferred_element_type=jnp.float32,
                precision=lax.Precision.HIGHEST)
    h = jnp.maximum(h + b1_ref[...], 0.0)
    h2 = jnp.dot(h, w2_ref[...], preferred_element_type=jnp.float32,
                 precision=lax.Precision.HIGHEST)
    out_ref[...] = h2 * dinv


def _tc_mid(z_p, y, deg_p, W1, b1r, W2):
    blk = 1024
    return pl.pallas_call(
        _tc_mid_body,
        grid=(NP // blk,),
        in_specs=[
            pl.BlockSpec((NC, blk, D), lambda i: (0, i, 0)),
            pl.BlockSpec((blk, D), lambda i: (i, 0)),
            pl.BlockSpec((NC, blk), lambda i: (0, i)),
            pl.BlockSpec((128, 256), lambda i: (0, 0)),
            pl.BlockSpec((1, 256), lambda i: (0, 0)),
            pl.BlockSpec((256, D), lambda i: (0, 0)),
        ],
        out_specs=pl.BlockSpec((blk, D), lambda i: (i, 0)),
        out_shape=jax.ShapeDtypeStruct((NP, D), jnp.float32),
    )(z_p, y, deg_p, W1, b1r, W2)


def _tc_final_body(z_ref, y_ref, deg_ref, bmu_ref, blv_ref, mu_ref, lv_ref):
    dinv = _dinv(deg_ref)[:, None]
    o = (z_ref[0] + z_ref[1] + y_ref[...]) * dinv
    mu_ref[...] = o[:, :64] + bmu_ref[...]
    lv_ref[...] = o[:, 64:] + blv_ref[...]


def _tc_final(z2_p, y2, deg_p, bmur, blvr):
    blk = 1024
    return pl.pallas_call(
        _tc_final_body,
        grid=(NP // blk,),
        in_specs=[
            pl.BlockSpec((NC, blk, D), lambda i: (0, i, 0)),
            pl.BlockSpec((blk, D), lambda i: (i, 0)),
            pl.BlockSpec((NC, blk), lambda i: (0, i)),
            pl.BlockSpec((1, 64), lambda i: (0, 0)),
            pl.BlockSpec((1, 64), lambda i: (0, 0)),
        ],
        out_specs=[
            pl.BlockSpec((blk, 64), lambda i: (i, 0)),
            pl.BlockSpec((blk, 64), lambda i: (i, 0)),
        ],
        out_shape=[
            jax.ShapeDtypeStruct((NP, 64), jnp.float32),
            jax.ShapeDtypeStruct((NP, 64), jnp.float32),
        ],
    )(z2_p, y2, deg_p, bmur, blvr)


@jax.jit
def kernel(x, edge_index, W1, b1, Wmu, bmu, Wlv, blv):
    src = edge_index[0].astype(jnp.int32)
    dst = edge_index[1].astype(jnp.int32)
    pad = jnp.full((EPAD - E,), N, jnp.int32)
    srcm = jnp.concatenate([src, pad]).reshape(EPAD // EB, EB)
    dstm = jnp.concatenate([dst, pad]).reshape(EPAD // EB, EB)

    deg_p = _sc_degree(dstm)
    x_p = jnp.pad(x, ((0, NP - N), (0, 0)))
    y = _tc_prescale(deg_p, x_p)
    z_p = _sc_agg(y, srcm, dstm)
    W2 = jnp.concatenate([Wmu, Wlv], axis=1)
    y2 = _tc_mid(z_p, y, deg_p, W1, b1.reshape(1, -1), W2)
    z2_p = _sc_agg(y2, srcm, dstm)
    mu, lv = _tc_final(z2_p, y2, deg_p, bmu.reshape(1, -1), blv.reshape(1, -1))
    return (mu[:N], lv[:N])

# --- scband reference (transcript-rebuilt; emitter-appended) ---
"""Pipeline reference for scband-vgae-encoder-38053410242769 (READ-ONLY COPY).

The authoritative reference and input builder live on the scoring server;
editing this copy changes nothing except your own understanding.
"""

import jax, jax.numpy as jnp
import numpy as np

N_NODES = 10000
N_EDGES = 320000
IN_DIM = 128
HID_DIM = 256
LAT_DIM = 64


def gcn_conv(x, edge_index, W, b):
    # Faithful PyG GCNConv: add self-loops, symmetric normalization,
    # linear transform, scatter-add aggregation over destination nodes, bias.
    n = x.shape[0]
    loop = jnp.arange(n, dtype=edge_index.dtype)
    src = jnp.concatenate([edge_index[0], loop])
    dst = jnp.concatenate([edge_index[1], loop])
    ones = jnp.ones(src.shape[0], dtype=x.dtype)
    deg = jax.ops.segment_sum(ones, dst, num_segments=n)
    dinv = jnp.where(deg > 0, jax.lax.rsqrt(deg), 0.0)
    norm = dinv[src] * dinv[dst]
    h = x @ W
    msg = h[src] * norm[:, None]
    out = jax.ops.segment_sum(msg, dst, num_segments=n)
    return out + b


def setup_inputs(seed: int = 0) -> dict:
    key = jax.random.key(seed)
    ks = jax.random.split(key, 8)
    x = jax.random.normal(ks[0], (N_NODES, IN_DIM), dtype=jnp.float32)
    edge_index = jax.random.randint(ks[1], (2, N_EDGES), 0, N_NODES, dtype=jnp.int64)
    W1 = jax.random.normal(ks[2], (IN_DIM, HID_DIM), dtype=jnp.float32) * (1.0 / np.sqrt(IN_DIM))
    b1 = jnp.zeros((HID_DIM,), dtype=jnp.float32)
    Wmu = jax.random.normal(ks[3], (HID_DIM, LAT_DIM), dtype=jnp.float32) * (1.0 / np.sqrt(HID_DIM))
    bmu = jnp.zeros((LAT_DIM,), dtype=jnp.float32)
    Wlv = jax.random.normal(ks[4], (HID_DIM, LAT_DIM), dtype=jnp.float32) * (1.0 / np.sqrt(HID_DIM))
    blv = jnp.zeros((LAT_DIM,), dtype=jnp.float32)
    return {"x": x, "edge_index": edge_index, "W1": W1, "b1": b1,
            "Wmu": Wmu, "bmu": bmu, "Wlv": Wlv, "blv": blv}


def reference(x, edge_index, W1, b1, Wmu, bmu, Wlv, blv):
    h = jax.nn.relu(gcn_conv(x, edge_index, W1, b1))
    mu = gcn_conv(h, edge_index, Wmu, bmu)
    logvar = gcn_conv(h, edge_index, Wlv, blv)
    return (mu, logvar)

if __name__ == "__main__":
    import jax
    _d = setup_inputs()
    print(jax.jit(kernel)(*tuple(_d.values())))

</pallas_src>

<mosaic_0001>
#map = affine_map<(d0, d1) -> (0, 0)>
module attributes {stable_mosaic.version = 14 : i64} {
  func.func @_sc_degree_body(%arg0: i32, %arg1: i32, %arg2: memref<2560x128xi32, #tpu.memory_space<hbm>>, %arg3: memref<2x10240xf32, #tpu.memory_space<hbm>>, %arg4: memref<80x128xi32, #tpu.memory_space<vmem>>, %arg5: memref<128xf32, #tpu.memory_space<vmem>>, %arg6: memref<640xf32, #tpu.memory_space<vmem>>, %arg7: memref<!tpu.dma_semaphore, #tpu.memory_space<semaphore_mem>>, %arg8: memref<10240xf32, #tpu.memory_space<vmem_shared>>) attributes {dimension_semantics = [#tpu.dimension_semantics<core_parallel>, #tpu.dimension_semantics<subcore_parallel>], iteration_bounds = array<i64: 2, 16>, scalar_prefetch = 0 : i64, scratch_operands = 5 : i64, tpu.core_type = #tpu.core_type<sc_vector_subcore>, window_params = [{transform_indices = #map}, {transform_indices = #map}]} {
    %mul3A = arith.constant 16 : i32
    %mul3A_0 = arith.muli %arg0, %mul3A : i32
    %add3A = arith.addi %mul3A_0, %arg1 : i32
    %scan3A = arith.constant 0 : i32
    %scan3A_1 = arith.constant 8 : i32
    %scan3A_2 = arith.addi %scan3A, %scan3A_1 : i32
    %scan3A_3 = arith.constant 1 : i32
    scf.for %scan3A_20 = %scan3A to %scan3A_2 step %scan3A_3  : i32 {
      %mul3A_21 = arith.constant 16 : i32
      %mul3A_22 = arith.muli %scan3A_20, %mul3A_21 : i32
      %add3A_23 = arith.constant 0 : i32
      %add3A_24 = arith.addi %add3A_23, %mul3A_22 : i32
      %broadcast_in_dim3A = arith.constant 1.000000e+00 : f32
      %broadcast_in_dim3A_25 = vector.broadcast %broadcast_in_dim3A : f32 to vector<16xf32>
      %swap3A = arith.index_cast %add3A_24 : i32 to index
      %swap3A_26 = tpu.vector_load %arg5[%swap3A] {strides = array<i32>} : memref<128xf32, #tpu.memory_space<vmem>>, vector<16xf32>,
      %swap3A_27 = vector.shape_cast %swap3A_26 : vector<16xf32> to vector<16xf32>
      %swap3A_28 = vector.shape_cast %broadcast_in_dim3A_25 : vector<16xf32> to vector<16xf32>
      tpu.vector_store %arg5[%swap3A], %swap3A_28 {strides = array<i32>} : memref<128xf32, #tpu.memory_space<vmem>>, vector<16xf32>,
    }
    %scan3A_4 = arith.constant 8 : i32
    %scan3A_5 = arith.constant 0 : i32
    %scan3A_6 = arith.constant 40 : i32
    %scan3A_7 = arith.addi %scan3A_5, %scan3A_6 : i32
    %scan3A_8 = arith.constant 1 : i32
    scf.for %scan3A_20 = %scan3A_5 to %scan3A_7 step %scan3A_8  : i32 {
      %mul3A_21 = arith.constant 16 : i32
      %mul3A_22 = arith.muli %scan3A_20, %mul3A_21 : i32
      %add3A_23 = arith.constant 0 : i32
      %add3A_24 = arith.addi %add3A_23, %mul3A_22 : i32
      %broadcast_in_dim3A = arith.constant 0.000000e+00 : f32
      %broadcast_in_dim3A_25 = vector.broadcast %broadcast_in_dim3A : f32 to vector<16xf32>
      %swap3A = arith.index_cast %add3A_24 : i32 to index
      %swap3A_26 = tpu.vector_load %arg6[%swap3A] {strides = array<i32>} : memref<640xf32, #tpu.memory_space<vmem>>, vector<16xf32>,
      %swap3A_27 = vector.shape_cast %swap3A_26 : vector<16xf32> to vector<16xf32>
      %swap3A_28 = vector.shape_cast %broadcast_in_dim3A_25 : vector<16xf32> to vector<16xf32>
      tpu.vector_store %arg6[%swap3A], %swap3A_28 {strides = array<i32>} : memref<640xf32, #tpu.memory_space<vmem>>, vector<16xf32>,
    }
    %scan3A_9 = arith.constant 40 : i32
    %mul3A_10 = arith.constant 640 : i32
    %mul3A_11 = arith.muli %arg1, %mul3A_10 : i32
    "tpu.region"() ({
      %run_scoped3A = tpu.sem_alloc : memref<!tpu.dma_semaphore, #tpu.memory_space<semaphore_mem>>
      %dma_start3A = tpu.memref_slice %arg8[%mul3A_11] : memref<10240xf32, #tpu.memory_space<vmem_shared>> -> memref<640xf32, #tpu.memory_space<vmem_shared>>
      %dma_start3A_20 = tpu.memref_slice %arg8[%mul3A_11] : memref<10240xf32, #tpu.memory_space<vmem_shared>> -> memref<640xf32, #tpu.memory_space<vmem_shared>>
      tpu.enqueue_dma source(%arg6 : memref<640xf32, #tpu.memory_space<vmem>>) target(%dma_start3A_20 : memref<640xf32, #tpu.memory_space<vmem_shared>>) target_semaphore(%run_scoped3A : memref<!tpu.dma_semaphore, #tpu.memory_space<semaphore_mem>>)
      %dma_wait3A = tpu.memref_slice %arg8[%mul3A_11] : memref<10240xf32, #tpu.memory_space<vmem_shared>> -> memref<640xf32, #tpu.memory_space<vmem_shared>>
      %dma_wait3A_21 = tpu.memref_slice %arg8[%mul3A_11] : memref<10240xf32, #tpu.memory_space<vmem_shared>> -> memref<640xf32, #tpu.memory_space<vmem_shared>>
      tpu.wait_dma2 semaphore(%run_scoped3A : memref<!tpu.dma_semaphore, #tpu.memory_space<semaphore_mem>>) src(%arg6 : memref<640xf32, #tpu.memory_space<vmem>>) dst(%dma_wait3A_21 : memref<640xf32, #tpu.memory_space<vmem_shared>>)
      tpu.yield
    }) : () -> ()
    %barrier3A = arith.constant 0 : index
    tpu.barrier barrier_id(%barrier3A)
    %mul3A_12 = arith.constant 80 : i32
    %mul3A_13 = arith.muli %add3A, %mul3A_12 : i32
    "tpu.region"() ({
      %run_scoped3A = tpu.sem_alloc : memref<!tpu.dma_semaphore, #tpu.memory_space<semaphore_mem>>
      %dma_start3A = arith.constant 0 : i32
      %dma_start3A_20 = tpu.memref_slice %arg2[%mul3A_13, %dma_start3A] : memref<2560x128xi32, #tpu.memory_space<hbm>> -> memref<80x128xi32, #tpu.memory_space<hbm>>
      %dma_start3A_21 = arith.constant 0 : i32
      %dma_start3A_22 = tpu.memref_slice %arg2[%mul3A_13, %dma_start3A_21] : memref<2560x128xi32, #tpu.memory_space<hbm>> -> memref<80x128xi32, #tpu.memory_space<hbm>>
      tpu.enqueue_dma source(%dma_start3A_22 : memref<80x128xi32, #tpu.memory_space<hbm>>) target(%arg4 : memref<80x128xi32, #tpu.memory_space<vmem>>) target_semaphore(%run_scoped3A : memref<!tpu.dma_semaphore, #tpu.memory_space<semaphore_mem>>)
      %dma_wait3A = arith.constant 0 : i32
      %dma_wait3A_23 = tpu.memref_slice %arg2[%mul3A_13, %dma_wait3A] : memref<2560x128xi32, #tpu.memory_space<hbm>> -> memref<80x128xi32, #tpu.memory_space<hbm>>
      %dma_wait3A_24 = arith.constant 0 : i32
      %dma_wait3A_25 = tpu.memref_slice %arg2[%mul3A_13, %dma_wait3A_24] : memref<2560x128xi32, #tpu.memory_space<hbm>> -> memref<80x128xi32, #tpu.memory_space<hbm>>
      tpu.wait_dma2 semaphore(%run_scoped3A : memref<!tpu.dma_semaphore, #tpu.memory_space<semaphore_mem>>) src(%dma_wait3A_25 : memref<80x128xi32, #tpu.memory_space<hbm>>) dst(%arg4 : memref<80x128xi32, #tpu.memory_space<vmem>>)
      tpu.yield
    }) : () -> ()
    %scan3A_14 = arith.constant 0 : i32
    %scan3A_15 = arith.constant 80 : i32
    %scan3A_16 = arith.addi %scan3A_14, %scan3A_15 : i32
    %scan3A_17 = arith.constant 1 : i32
    scf.for %scan3A_20 = %scan3A_14 to %scan3A_16 step %scan3A_17  : i32 {
      %mul3A_21 = arith.constant 1 : i32
      %mul3A_22 = arith.muli %scan3A_20, %mul3A_21 : i32
      %add3A_23 = arith.constant 0 : i32
      %add3A_24 = arith.addi %add3A_23, %mul3A_22 : i32
      "tpu.region"() ({
        %run_scoped3A = tpu.sem_alloc : memref<!tpu.dma_semaphore, #tpu.memory_space<semaphore_mem>>
        %dma_start3A = arith.constant 0 : i32
        %dma_start3A_25 = tpu.memref_slice %arg4[%add3A_24, %dma_start3A] : memref<80x128xi32, #tpu.memory_space<vmem>> -> memref<1x128xi32, #tpu.memory_space<vmem>>
        %dma_start3A_26 = tpu.memref_squeeze %dma_start3A_25 : memref<1x128xi32, #tpu.memory_space<vmem>> -> memref<128xi32, #tpu.memory_space<vmem>>
        %dma_start3A_27 = arith.constant 0 : i32
        %dma_start3A_28 = tpu.memref_slice %arg8[%dma_start3A_27] : memref<10240xf32, #tpu.memory_space<vmem_shared>> -> memref<10240xf32, #tpu.memory_space<vmem_shared>>
        tpu.enqueue_indirect_dma source(%arg5 : memref<128xf32, #tpu.memory_space<vmem>>) target(%dma_start3A_28 : memref<10240xf32, #tpu.memory_space<vmem_shared>>) offsets(%dma_start3A_26 : memref<128xi32, #tpu.memory_space<vmem>>) semaphore(%run_scoped3A : memref<!tpu.dma_semaphore, #tpu.memory_space<semaphore_mem>>) {add = true}
        %dma_wait3A = arith.constant 0 : i32
        %dma_wait3A_29 = tpu.memref_slice %arg4[%add3A_24, %dma_wait3A] : memref<80x128xi32, #tpu.memory_space<vmem>> -> memref<1x128xi32, #tpu.memory_space<vmem>>
        %dma_wait3A_30 = tpu.memref_squeeze %dma_wait3A_29 : memref<1x128xi32, #tpu.memory_space<vmem>> -> memref<128xi32, #tpu.memory_space<vmem>>
        %dma_wait3A_31 = arith.constant 0 : i32
        %dma_wait3A_32 = tpu.memref_slice %arg8[%dma_wait3A_31] : memref<10240xf32, #tpu.memory_space<vmem_shared>> -> memref<10240xf32, #tpu.memory_space<vmem_shared>>
        tpu.wait_indirect_dma semaphore(%run_scoped3A : memref<!tpu.dma_semaphore, #tpu.memory_space<semaphore_mem>>) src(%arg5 : memref<128xf32, #tpu.memory_space<vmem>>) dst(%dma_wait3A_32 : memref<10240xf32, #tpu.memory_space<vmem_shared>>)
        tpu.yield
      }) : () -> ()
    }
    %scan3A_18 = arith.constant 80 : i32
    %barrier3A_19 = arith.constant 0 : index
    tpu.barrier barrier_id(%barrier3A_19)
    "tpu.region"() ({
      %run_scoped3A = tpu.sem_alloc : memref<!tpu.dma_semaphore, #tpu.memory_space<semaphore_mem>>
      %dma_start3A = tpu.memref_slice %arg3[%arg0, %mul3A_11] : memref<2x10240xf32, #tpu.memory_space<hbm>> -> memref<1x640xf32, #tpu.memory_space<hbm>>
      %dma_start3A_20 = tpu.memref_squeeze %dma_start3A : memref<1x640xf32, #tpu.memory_space<hbm>> -> memref<640xf32, #tpu.memory_space<hbm>>
      %dma_start3A_21 = tpu.memref_slice %arg8[%mul3A_11] : memref<10240xf32, #tpu.memory_space<vmem_shared>> -> memref<640xf32, #tpu.memory_space<vmem_shared>>
      tpu.enqueue_dma source(%dma_start3A_21 : memref<640xf32, #tpu.memory_space<vmem_shared>>) target(%dma_start3A_20 : memref<640xf32, #tpu.memory_space<hbm>>) target_semaphore(%run_scoped3A : memref<!tpu.dma_semaphore, #tpu.memory_space<semaphore_mem>>)
      %dma_wait3A = tpu.memref_slice %arg3[%arg0, %mul3A_11] : memref<2x10240xf32, #tpu.memory_space<hbm>> -> memref<1x640xf32, #tpu.memory_space<hbm>>
      %dma_wait3A_22 = tpu.memref_squeeze %dma_wait3A : memref<1x640xf32, #tpu.memory_space<hbm>> -> memref<640xf32, #tpu.memory_space<hbm>>
      %dma_wait3A_23 = tpu.memref_slice %arg8[%mul3A_11] : memref<10240xf32, #tpu.memory_space<vmem_shared>> -> memref<640xf32, #tpu.memory_space<vmem_shared>>
      tpu.wait_dma2 semaphore(%run_scoped3A : memref<!tpu.dma_semaphore, #tpu.memory_space<semaphore_mem>>) src(%dma_wait3A_23 : memref<640xf32, #tpu.memory_space<vmem_shared>>) dst(%dma_wait3A_22 : memref<640xf32, #tpu.memory_space<hbm>>)
      tpu.yield
    }) : () -> ()
    return
  }
}

#map = affine_map<(d0, d1) -> (0, 0)>
#map1 = affine_map<(d0, d1) -> (0, 0, 0)>
module attributes {stable_mosaic.version = 14 : i64} {
  func.func @_sc_agg_body(%arg0: i32, %arg1: i32, %arg2: memref<10240x128xf32, #tpu.memory_space<hbm>>, %arg3: memref<2560x128xi32, #tpu.memory_space<hbm>>, %arg4: memref<2560x128xi32, #tpu.memory_space<hbm>>, %arg5: memref<2x10240x128xf32, #tpu.memory_space<hbm>>, %arg6: memref<8x128xi32, #tpu.memory_space<vmem>>, %arg7: memref<8x128xi32, #tpu.memory_space<vmem>>, %arg8: memref<128x128xf32, #tpu.memory_space<vmem>>, %arg9: memref<128x128xf32, #tpu.memory_space<vmem>>, %arg10: memref<!tpu.dma_semaphore, #tpu.memory_space<semaphore_mem>>, %arg11: memref<!tpu.dma_semaphore, #tpu.memory_space<semaphore_mem>>, %arg12: memref<10240x128xf32, #tpu.memory_space<vmem_shared>>) attributes {dimension_semantics = [#tpu.dimension_semantics<core_parallel>, #tpu.dimension_semantics<subcore_parallel>], iteration_bounds = array<i64: 2, 16>, scalar_prefetch = 0 : i64, scratch_operands = 7 : i64, tpu.core_type = #tpu.core_type<sc_vector_subcore>, window_params = [{transform_indices = #map}, {transform_indices = #map}, {transform_indices = #map}, {transform_indices = #map1}]} {
    %mul3A = arith.constant 16 : i32
    %mul3A_0 = arith.muli %arg0, %mul3A : i32
    %add3A = arith.addi %mul3A_0, %arg1 : i32
    %scan3A = arith.constant 0 : i32
    %scan3A_1 = arith.constant 128 : i32
    %scan3A_2 = arith.addi %scan3A, %scan3A_1 : i32
    %scan3A_3 = arith.constant 1 : i32
    scf.for %scan3A_18 = %scan3A to %scan3A_2 step %scan3A_3  : i32 {
      %mul3A_19 = arith.constant 1 : i32
      %mul3A_20 = arith.muli %scan3A_18, %mul3A_19 : i32
      %add3A_21 = arith.constant 0 : i32
      %add3A_22 = arith.addi %add3A_21, %mul3A_20 : i32
      %scan3A_23 = arith.constant 0 : i32
      %scan3A_24 = arith.constant 8 : i32
      %scan3A_25 = arith.addi %scan3A_23, %scan3A_24 : i32
      %scan3A_26 = arith.constant 1 : i32
      scf.for %scan3A_28 = %scan3A_23 to %scan3A_25 step %scan3A_26  : i32 {
        %mul3A_29 = arith.constant 16 : i32
        %mul3A_30 = arith.muli %scan3A_28, %mul3A_29 : i32
        %add3A_31 = arith.constant 0 : i32
        %add3A_32 = arith.addi %add3A_31, %mul3A_30 : i32
        %broadcast_in_dim3A = arith.constant 0.000000e+00 : f32
        %broadcast_in_dim3A_33 = vector.broadcast %broadcast_in_dim3A : f32 to vector<16xf32>
        %swap3A = arith.index_cast %add3A_22 : i32 to index
        %swap3A_34 = arith.index_cast %add3A_32 : i32 to index
        %swap3A_35 = tpu.vector_load %arg8[%swap3A, %swap3A_34] {strides = array<i32>} : memref<128x128xf32, #tpu.memory_space<vmem>>, vector<1x16xf32>,
        %swap3A_36 = vector.shape_cast %swap3A_35 : vector<1x16xf32> to vector<16xf32>
        %swap3A_37 = vector.shape_cast %broadcast_in_dim3A_33 : vector<16xf32> to vector<1x16xf32>
        tpu.vector_store %arg8[%swap3A, %swap3A_34], %swap3A_37 {strides = array<i32>} : memref<128x128xf32, #tpu.memory_space<vmem>>, vector<1x16xf32>,
      }
      %scan3A_27 = arith.constant 8 : i32
    }
    %scan3A_4 = arith.constant 128 : i32
    %mul3A_5 = arith.constant 640 : i32
    %mul3A_6 = arith.muli %arg1, %mul3A_5 : i32
    %scan3A_7 = arith.constant 0 : i32
    %scan3A_8 = arith.constant 5 : i32
    %scan3A_9 = arith.addi %scan3A_7, %scan3A_8 : i32
    %scan3A_10 = arith.constant 1 : i32
    scf.for %scan3A_18 = %scan3A_7 to %scan3A_9 step %scan3A_10  : i32 {
      %mul3A_19 = arith.constant 1 : i32
      %mul3A_20 = arith.muli %scan3A_18, %mul3A_19 : i32
      %add3A_21 = arith.constant 0 : i32
      %add3A_22 = arith.addi %add3A_21, %mul3A_20 : i32
      %mul3A_23 = arith.constant 128 : i32
      %mul3A_24 = arith.muli %add3A_22, %mul3A_23 : i32
      %add3A_25 = arith.addi %mul3A_6, %mul3A_24 : i32
      "tpu.region"() ({
        %run_scoped3A = tpu.sem_alloc : memref<!tpu.dma_semaphore, #tpu.memory_space<semaphore_mem>>
        %dma_start3A = arith.constant 0 : i32
        %dma_start3A_26 = tpu.memref_slice %arg12[%add3A_25, %dma_start3A] : memref<10240x128xf32, #tpu.memory_space<vmem_shared>> -> memref<128x128xf32, #tpu.memory_space<vmem_shared>>
        %dma_start3A_27 = arith.constant 0 : i32
        %dma_start3A_28 = tpu.memref_slice %arg12[%add3A_25, %dma_start3A_27] : memref<10240x128xf32, #tpu.memory_space<vmem_shared>> -> memref<128x128xf32, #tpu.memory_space<vmem_shared>>
        tpu.enqueue_dma source(%arg8 : memref<128x128xf32, #tpu.memory_space<vmem>>) target(%dma_start3A_28 : memref<128x128xf32, #tpu.memory_space<vmem_shared>>) target_semaphore(%run_scoped3A : memref<!tpu.dma_semaphore, #tpu.memory_space<semaphore_mem>>)
        %dma_wait3A = arith.constant 0 : i32
        %dma_wait3A_29 = tpu.memref_slice %arg12[%add3A_25, %dma_wait3A] : memref<10240x128xf32, #tpu.memory_space<vmem_shared>> -> memref<128x128xf32, #tpu.memory_space<vmem_shared>>
        %dma_wait3A_30 = arith.constant 0 : i32
        %dma_wait3A_31 = tpu.memref_slice %arg12[%add3A_25, %dma_wait3A_30] : memref<10240x128xf32, #tpu.memory_space<vmem_shared>> -> memref<128x128xf32, #tpu.memory_space<vmem_shared>>
        tpu.wait_dma2 semaphore(%run_scoped3A : memref<!tpu.dma_semaphore, #tpu.memory_space<semaphore_mem>>) src(%arg8 : memref<128x128xf32, #tpu.memory_space<vmem>>) dst(%dma_wait3A_31 : memref<128x128xf32, #tpu.memory_space<vmem_shared>>)
        tpu.yield
      }) : () -> ()
    }
    %scan3A_11 = arith.constant 5 : i32
    %barrier3A = arith.constant 0 : index
    tpu.barrier barrier_id(%barrier3A)
    %scan3A_12 = arith.constant 0 : i32
    %scan3A_13 = arith.constant 10 : i32
    %scan3A_14 = arith.addi %scan3A_12, %scan3A_13 : i32
    %scan3A_15 = arith.constant 1 : i32
    scf.for %scan3A_18 = %scan3A_12 to %scan3A_14 step %scan3A_15  : i32 {
      %mul3A_19 = arith.constant 1 : i32
      %mul3A_20 = arith.muli %scan3A_18, %mul3A_19 : i32
      %add3A_21 = arith.constant 0 : i32
      %add3A_22 = arith.addi %add3A_21, %mul3A_20 : i32
      %mul3A_23 = arith.constant 80 : i32
      %mul3A_24 = arith.muli %add3A, %mul3A_23 : i32
      %mul3A_25 = arith.constant 8 : i32
      %mul3A_26 = arith.muli %add3A_22, %mul3A_25 : i32
      %add3A_27 = arith.addi %mul3A_24, %mul3A_26 : i32
      "tpu.region"() ({
        %run_scoped3A = tpu.sem_alloc : memref<!tpu.dma_semaphore, #tpu.memory_space<semaphore_mem>>
        %dma_start3A_46 = arith.constant 0 : i32
        %dma_start3A_47 = tpu.memref_slice %arg3[%add3A_27, %dma_start3A_46] : memref<2560x128xi32, #tpu.memory_space<hbm>> -> memref<8x128xi32, #tpu.memory_space<hbm>>
        %dma_start3A_48 = arith.constant 0 : i32
        %dma_start3A_49 = tpu.memref_slice %arg3[%add3A_27, %dma_start3A_48] : memref<2560x128xi32, #tpu.memory_space<hbm>> -> memref<8x128xi32, #tpu.memory_space<hbm>>
        tpu.enqueue_dma source(%dma_start3A_49 : memref<8x128xi32, #tpu.memory_space<hbm>>) target(%arg6 : memref<8x128xi32, #tpu.memory_space<vmem>>) target_semaphore(%run_scoped3A : memref<!tpu.dma_semaphore, #tpu.memory_space<semaphore_mem>>)
        %dma_wait3A = arith.constant 0 : i32
        %dma_wait3A_50 = tpu.memref_slice %arg3[%add3A_27, %dma_wait3A] : memref<2560x128xi32, #tpu.memory_space<hbm>> -> memref<8x128xi32, #tpu.memory_space<hbm>>
        %dma_wait3A_51 = arith.constant 0 : i32
        %dma_wait3A_52 = tpu.memref_slice %arg3[%add3A_27, %dma_wait3A_51] : memref<2560x128xi32, #tpu.memory_space<hbm>> -> memref<8x128xi32, #tpu.memory_space<hbm>>
        tpu.wait_dma2 semaphore(%run_scoped3A : memref<!tpu.dma_semaphore, #tpu.memory_space<semaphore_mem>>) src(%dma_wait3A_52 : memref<8x128xi32, #tpu.memory_space<hbm>>) dst(%arg6 : memref<8x128xi32, #tpu.memory_space<vmem>>)
        tpu.yield
      }) : () -> ()
      "tpu.region"() ({
        %run_scoped3A = tpu.sem_alloc : memref<!tpu.dma_semaphore, #tpu.memory_space<semaphore_mem>>
        %dma_start3A_46 = arith.constant 0 : i32
        %dma_start3A_47 = tpu.memref_slice %arg4[%add3A_27, %dma_start3A_46] : memref<2560x128xi32, #tpu.memory_space<hbm>> -> memref<8x128xi32, #tpu.memory_space<hbm>>
        %dma_start3A_48 = arith.constant 0 : i32
        %dma_start3A_49 = tpu.memref_slice %arg4[%add3A_27, %dma_start3A_48] : memref<2560x128xi32, #tpu.memory_space<hbm>> -> memref<8x128xi32, #tpu.memory_space<hbm>>
        tpu.enqueue_dma source(%dma_start3A_49 : memref<8x128xi32, #tpu.memory_space<hbm>>) target(%arg7 : memref<8x128xi32, #tpu.memory_space<vmem>>) target_semaphore(%run_scoped3A : memref<!tpu.dma_semaphore, #tpu.memory_space<semaphore_mem>>)
        %dma_wait3A = arith.constant 0 : i32
        %dma_wait3A_50 = tpu.memref_slice %arg4[%add3A_27, %dma_wait3A] : memref<2560x128xi32, #tpu.memory_space<hbm>> -> memref<8x128xi32, #tpu.memory_space<hbm>>
        %dma_wait3A_51 = arith.constant 0 : i32
        %dma_wait3A_52 = tpu.memref_slice %arg4[%add3A_27, %dma_wait3A_51] : memref<2560x128xi32, #tpu.memory_space<hbm>> -> memref<8x128xi32, #tpu.memory_space<hbm>>
        tpu.wait_dma2 semaphore(%run_scoped3A : memref<!tpu.dma_semaphore, #tpu.memory_space<semaphore_mem>>) src(%dma_wait3A_52 : memref<8x128xi32, #tpu.memory_space<hbm>>) dst(%arg7 : memref<8x128xi32, #tpu.memory_space<vmem>>)
        tpu.yield
      }) : () -> ()
      %dma_start3A = arith.constant 0 : i32
      %dma_start3A_28 = arith.constant 0 : i32
      %dma_start3A_29 = tpu.memref_slice %arg6[%dma_start3A, %dma_start3A_28] : memref<8x128xi32, #tpu.memory_space<vmem>> -> memref<1x128xi32, #tpu.memory_space<vmem>>
      %dma_start3A_30 = tpu.memref_squeeze %dma_start3A_29 : memref<1x128xi32, #tpu.memory_space<vmem>> -> memref<128xi32, #tpu.memory_space<vmem>>
      %dma_start3A_31 = arith.constant 0 : i32
      %dma_start3A_32 = arith.constant 0 : i32
      %dma_start3A_33 = tpu.memref_slice %arg2[%dma_start3A_31, %dma_start3A_32] : memref<10240x128xf32, #tpu.memory_space<hbm>> -> memref<10240x128xf32, #tpu.memory_space<hbm>>
      tpu.enqueue_indirect_dma source(%dma_start3A_33 : memref<10240x128xf32, #tpu.memory_space<hbm>>) target(%arg8 : memref<128x128xf32, #tpu.memory_space<vmem>>) offsets(%dma_start3A_30 : memref<128xi32, #tpu.memory_space<vmem>>) semaphore(%arg10 : memref<!tpu.dma_semaphore, #tpu.memory_space<semaphore_mem>>)
      %dma_start3A_34 = arith.constant 1 : i32
      %dma_start3A_35 = arith.constant 0 : i32
      %dma_start3A_36 = tpu.memref_slice %arg6[%dma_start3A_34, %dma_start3A_35] : memref<8x128xi32, #tpu.memory_space<vmem>> -> memref<1x128xi32, #tpu.memory_space<vmem>>
      %dma_start3A_37 = tpu.memref_squeeze %dma_start3A_36 : memref<1x128xi32, #tpu.memory_space<vmem>> -> memref<128xi32, #tpu.memory_space<vmem>>
      %dma_start3A_38 = arith.constant 0 : i32
      %dma_start3A_39 = arith.constant 0 : i32
      %dma_start3A_40 = tpu.memref_slice %arg2[%dma_start3A_38, %dma_start3A_39] : memref<10240x128xf32, #tpu.memory_space<hbm>> -> memref<10240x128xf32, #tpu.memory_space<hbm>>
      tpu.enqueue_indirect_dma source(%dma_start3A_40 : memref<10240x128xf32, #tpu.memory_space<hbm>>) target(%arg9 : memref<128x128xf32, #tpu.memory_space<vmem>>) offsets(%dma_start3A_37 : memref<128xi32, #tpu.memory_space<vmem>>) semaphore(%arg11 : memref<!tpu.dma_semaphore, #tpu.memory_space<semaphore_mem>>)
      %scan3A_41 = arith.constant 0 : i32
      %scan3A_42 = arith.constant 4 : i32
      %scan3A_43 = arith.addi %scan3A_41, %scan3A_42 : i32
      %scan3A_44 = arith.constant 1 : i32
      scf.for %scan3A_46 = %scan3A_41 to %scan3A_43 step %scan3A_44  : i32 {
        %mul3A_47 = arith.constant 2 : i32
        %mul3A_48 = arith.muli %scan3A_46, %mul3A_47 : i32
        %add3A_49 = arith.constant 0 : i32
        %add3A_50 = arith.addi %add3A_49, %mul3A_48 : i32
        %add3A_51 = arith.constant 0 : i32
        %add3A_52 = arith.addi %add3A_50, %add3A_51 : i32
        %dma_wait3A = arith.constant 0 : i32
        %dma_wait3A_53 = tpu.memref_slice %arg6[%add3A_52, %dma_wait3A] : memref<8x128xi32, #tpu.memory_space<vmem>> -> memref<1x128xi32, #tpu.memory_space<vmem>>
        %dma_wait3A_54 = tpu.memref_squeeze %dma_wait3A_53 : memref<1x128xi32, #tpu.memory_space<vmem>> -> memref<128xi32, #tpu.memory_space<vmem>>
        %dma_wait3A_55 = arith.constant 0 : i32
        %dma_wait3A_56 = arith.constant 0 : i32
        %dma_wait3A_57 = tpu.memref_slice %arg2[%dma_wait3A_55, %dma_wait3A_56] : memref<10240x128xf32, #tpu.memory_space<hbm>> -> memref<10240x128xf32, #tpu.memory_space<hbm>>
        tpu.wait_indirect_dma semaphore(%arg10 : memref<!tpu.dma_semaphore, #tpu.memory_space<semaphore_mem>>) src(%dma_wait3A_57 : memref<10240x128xf32, #tpu.memory_space<hbm>>) dst(%arg8 : memref<128x128xf32, #tpu.memory_space<vmem>>)
        %add3A_58 = arith.constant 0 : i32
        %add3A_59 = arith.addi %add3A_50, %add3A_58 : i32
        "tpu.region"() ({
          %run_scoped3A = tpu.sem_alloc : memref<!tpu.dma_semaphore, #tpu.memory_space<semaphore_mem>>
          %dma_start3A_85 = arith.constant 0 : i32
          %dma_start3A_86 = tpu.memref_slice %arg7[%add3A_59, %dma_start3A_85] : memref<8x128xi32, #tpu.memory_space<vmem>> -> memref<1x128xi32, #tpu.memory_space<vmem>>
          %dma_start3A_87 = tpu.memref_squeeze %dma_start3A_86 : memref<1x128xi32, #tpu.memory_space<vmem>> -> memref<128xi32, #tpu.memory_space<vmem>>
          %dma_start3A_88 = arith.constant 0 : i32
          %dma_start3A_89 = arith.constant 0 : i32
          %dma_start3A_90 = tpu.memref_slice %arg12[%dma_start3A_88, %dma_start3A_89] : memref<10240x128xf32, #tpu.memory_space<vmem_shared>> -> memref<10240x128xf32, #tpu.memory_space<vmem_shared>>
          tpu.enqueue_indirect_dma source(%arg8 : memref<128x128xf32, #tpu.memory_space<vmem>>) target(%dma_start3A_90 : memref<10240x128xf32, #tpu.memory_space<vmem_shared>>) offsets(%dma_start3A_87 : memref<128xi32, #tpu.memory_space<vmem>>) semaphore(%run_scoped3A : memref<!tpu.dma_semaphore, #tpu.memory_space<semaphore_mem>>) {add = true}
          %dma_wait3A_91 = arith.constant 0 : i32
          %dma_wait3A_92 = tpu.memref_slice %arg7[%add3A_59, %dma_wait3A_91] : memref<8x128xi32, #tpu.memory_space<vmem>> -> memref<1x128xi32, #tpu.memory_space<vmem>>
          %dma_wait3A_93 = tpu.memref_squeeze %dma_wait3A_92 : memref<1x128xi32, #tpu.memory_space<vmem>> -> memref<128xi32, #tpu.memory_space<vmem>>
          %dma_wait3A_94 = arith.constant 0 : i32
          %dma_wait3A_95 = arith.constant 0 : i32
          %dma_wait3A_96 = tpu.memref_slice %arg12[%dma_wait3A_94, %dma_wait3A_95] : memref<10240x128xf32, #tpu.memory_space<vmem_shared>> -> memref<10240x128xf32, #tpu.memory_space<vmem_shared>>
          tpu.wait_indirect_dma semaphore(%run_scoped3A : memref<!tpu.dma_semaphore, #tpu.memory_space<semaphore_mem>>) src(%arg8 : memref<128x128xf32, #tpu.memory_space<vmem>>) dst(%dma_wait3A_96 : memref<10240x128xf32, #tpu.memory_space<vmem_shared>>)
          tpu.yield
        }) : () -> ()
        %add3A_60 = arith.constant 0 : i32
        %add3A_61 = arith.addi %add3A_50, %add3A_60 : i32
        %add3A_62 = arith.constant 2 : i32
        %add3A_63 = arith.addi %add3A_61, %add3A_62 : i32
        %lt3A = arith.constant 8 : i32
        %lt3A_64 = arith.cmpi slt, %add3A_63, %lt3A : i32
        %convert_element_type3A = arith.extui %lt3A_64 : i1 to i32
        %cond3A = arith.constant 0 : i32
        %cond3A_65 = arith.cmpi ne, %convert_element_type3A, %cond3A : i32
        scf.if %cond3A_65 {
          %add3A_85 = arith.constant 0 : i32
          %add3A_86 = arith.addi %add3A_50, %add3A_85 : i32
          %add3A_87 = arith.constant 2 : i32
          %add3A_88 = arith.addi %add3A_86, %add3A_87 : i32
          %dma_start3A_89 = arith.constant 0 : i32
          %dma_start3A_90 = tpu.memref_slice %arg6[%add3A_88, %dma_start3A_89] : memref<8x128xi32, #tpu.memory_space<vmem>> -> memref<1x128xi32, #tpu.memory_space<vmem>>
          %dma_start3A_91 = tpu.memref_squeeze %dma_start3A_90 : memref<1x128xi32, #tpu.memory_space<vmem>> -> memref<128xi32, #tpu.memory_space<vmem>>
          %dma_start3A_92 = arith.constant 0 : i32
          %dma_start3A_93 = arith.constant 0 : i32
          %dma_start3A_94 = tpu.memref_slice %arg2[%dma_start3A_92, %dma_start3A_93] : memref<10240x128xf32, #tpu.memory_space<hbm>> -> memref<10240x128xf32, #tpu.memory_space<hbm>>
          tpu.enqueue_indirect_dma source(%dma_start3A_94 : memref<10240x128xf32, #tpu.memory_space<hbm>>) target(%arg8 : memref<128x128xf32, #tpu.memory_space<vmem>>) offsets(%dma_start3A_91 : memref<128xi32, #tpu.memory_space<vmem>>) semaphore(%arg10 : memref<!tpu.dma_semaphore, #tpu.memory_space<semaphore_mem>>)
        } else {
        }
        %add3A_66 = arith.constant 1 : i32
        %add3A_67 = arith.addi %add3A_50, %add3A_66 : i32
        %dma_wait3A_68 = arith.constant 0 : i32
        %dma_wait3A_69 = tpu.memref_slice %arg6[%add3A_67, %dma_wait3A_68] : memref<8x128xi32, #tpu.memory_space<vmem>> -> memref<1x128xi32, #tpu.memory_space<vmem>>
        %dma_wait3A_70 = tpu.memref_squeeze %dma_wait3A_69 : memref<1x128xi32, #tpu.memory_space<vmem>> -> memref<128xi32, #tpu.memory_space<vmem>>
        %dma_wait3A_71 = arith.constant 0 : i32
        %dma_wait3A_72 = arith.constant 0 : i32
        %dma_wait3A_73 = tpu.memref_slice %arg2[%dma_wait3A_71, %dma_wait3A_72] : memref<10240x128xf32, #tpu.memory_space<hbm>> -> memref<10240x128xf32, #tpu.memory_space<hbm>>
        tpu.wait_indirect_dma semaphore(%arg11 : memref<!tpu.dma_semaphore, #tpu.memory_space<semaphore_mem>>) src(%dma_wait3A_73 : memref<10240x128xf32, #tpu.memory_space<hbm>>) dst(%arg9 : memref<128x128xf32, #tpu.memory_space<vmem>>)
        %add3A_74 = arith.constant 1 : i32
        %add3A_75 = arith.addi %add3A_50, %add3A_74 : i32
        "tpu.region"() ({
          %run_scoped3A = tpu.sem_alloc : memref<!tpu.dma_semaphore, #tpu.memory_space<semaphore_mem>>
          %dma_start3A_85 = arith.constant 0 : i32
          %dma_start3A_86 = tpu.memref_slice %arg7[%add3A_75, %dma_start3A_85] : memref<8x128xi32, #tpu.memory_space<vmem>> -> memref<1x128xi32, #tpu.memory_space<vmem>>
          %dma_start3A_87 = tpu.memref_squeeze %dma_start3A_86 : memref<1x128xi32, #tpu.memory_space<vmem>> -> memref<128xi32, #tpu.memory_space<vmem>>
          %dma_start3A_88 = arith.constant 0 : i32
          %dma_start3A_89 = arith.constant 0 : i32
          %dma_start3A_90 = tpu.memref_slice %arg12[%dma_start3A_88, %dma_start3A_89] : memref<10240x128xf32, #tpu.memory_space<vmem_shared>> -> memref<10240x128xf32, #tpu.memory_space<vmem_shared>>
          tpu.enqueue_indirect_dma source(%arg9 : memref<128x128xf32, #tpu.memory_space<vmem>>) target(%dma_start3A_90 : memref<10240x128xf32, #tpu.memory_space<vmem_shared>>) offsets(%dma_start3A_87 : memref<128xi32, #tpu.memory_space<vmem>>) semaphore(%run_scoped3A : memref<!tpu.dma_semaphore, #tpu.memory_space<semaphore_mem>>) {add = true}
          %dma_wait3A_91 = arith.constant 0 : i32
          %dma_wait3A_92 = tpu.memref_slice %arg7[%add3A_75, %dma_wait3A_91] : memref<8x128xi32, #tpu.memory_space<vmem>> -> memref<1x128xi32, #tpu.memory_space<vmem>>
          %dma_wait3A_93 = tpu.memref_squeeze %dma_wait3A_92 : memref<1x128xi32, #tpu.memory_space<vmem>> -> memref<128xi32, #tpu.memory_space<vmem>>
          %dma_wait3A_94 = arith.constant 0 : i32
          %dma_wait3A_95 = arith.constant 0 : i32
          %dma_wait3A_96 = tpu.memref_slice %arg12[%dma_wait3A_94, %dma_wait3A_95] : memref<10240x128xf32, #tpu.memory_space<vmem_shared>> -> memref<10240x128xf32, #tpu.memory_space<vmem_shared>>
          tpu.wait_indirect_dma semaphore(%run_scoped3A : memref<!tpu.dma_semaphore, #tpu.memory_space<semaphore_mem>>) src(%arg9 : memref<128x128xf32, #tpu.memory_space<vmem>>) dst(%dma_wait3A_96 : memref<10240x128xf32, #tpu.memory_space<vmem_shared>>)
          tpu.yield
        }) : () -> ()
        %add3A_76 = arith.constant 1 : i32
        %add3A_77 = arith.addi %add3A_50, %add3A_76 : i32
        %add3A_78 = arith.constant 2 : i32
        %add3A_79 = arith.addi %add3A_77, %add3A_78 : i32
        %lt3A_80 = arith.constant 8 : i32
        %lt3A_81 = arith.cmpi slt, %add3A_79, %lt3A_80 : i32
        %convert_element_type3A_82 = arith.extui %lt3A_81 : i1 to i32
        %cond3A_83 = arith.constant 0 : i32
        %cond3A_84 = arith.cmpi ne, %convert_element_type3A_82, %cond3A_83 : i32
        scf.if %cond3A_84 {
          %add3A_85 = arith.constant 1 : i32
          %add3A_86 = arith.addi %add3A_50, %add3A_85 : i32
          %add3A_87 = arith.constant 2 : i32
          %add3A_88 = arith.addi %add3A_86, %add3A_87 : i32
          %dma_start3A_89 = arith.constant 0 : i32
          %dma_start3A_90 = tpu.memref_slice %arg6[%add3A_88, %dma_start3A_89] : memref<8x128xi32, #tpu.memory_space<vmem>> -> memref<1x128xi32, #tpu.memory_space<vmem>>
          %dma_start3A_91 = tpu.memref_squeeze %dma_start3A_90 : memref<1x128xi32, #tpu.memory_space<vmem>> -> memref<128xi32, #tpu.memory_space<vmem>>
          %dma_start3A_92 = arith.constant 0 : i32
          %dma_start3A_93 = arith.constant 0 : i32
          %dma_start3A_94 = tpu.memref_slice %arg2[%dma_start3A_92, %dma_start3A_93] : memref<10240x128xf32, #tpu.memory_space<hbm>> -> memref<10240x128xf32, #tpu.memory_space<hbm>>
          tpu.enqueue_indirect_dma source(%dma_start3A_94 : memref<10240x128xf32, #tpu.memory_space<hbm>>) target(%arg9 : memref<128x128xf32, #tpu.memory_space<vmem>>) offsets(%dma_start3A_91 : memref<128xi32, #tpu.memory_space<vmem>>) semaphore(%arg11 : memref<!tpu.dma_semaphore, #tpu.memory_space<semaphore_mem>>)
        } else {
        }
      }
      %scan3A_45 = arith.constant 4 : i32
    }
    %scan3A_16 = arith.constant 10 : i32
    %barrier3A_17 = arith.constant 0 : index
    tpu.barrier barrier_id(%barrier3A_17)
    "tpu.region"() ({
      %run_scoped3A = tpu.sem_alloc : memref<!tpu.dma_semaphore, #tpu.memory_space<semaphore_mem>>
      %dma_start3A = arith.constant 0 : i32
      %dma_start3A_18 = tpu.memref_slice %arg5[%arg0, %mul3A_6, %dma_start3A] : memref<2x10240x128xf32, #tpu.memory_space<hbm>> -> memref<1x640x128xf32, #tpu.memory_space<hbm>>
      %dma_start3A_19 = tpu.memref_squeeze %dma_start3A_18 : memref<1x640x128xf32, #tpu.memory_space<hbm>> -> memref<640x128xf32, #tpu.memory_space<hbm>>
      %dma_start3A_20 = arith.constant 0 : i32
      %dma_start3A_21 = tpu.memref_slice %arg12[%mul3A_6, %dma_start3A_20] : memref<10240x128xf32, #tpu.memory_space<vmem_shared>> -> memref<640x128xf32, #tpu.memory_space<vmem_shared>>
      tpu.enqueue_dma source(%dma_start3A_21 : memref<640x128xf32, #tpu.memory_space<vmem_shared>>) target(%dma_start3A_19 : memref<640x128xf32, #tpu.memory_space<hbm>>) target_semaphore(%run_scoped3A : memref<!tpu.dma_semaphore, #tpu.memory_space<semaphore_mem>>)
      %dma_wait3A = arith.constant 0 : i32
      %dma_wait3A_22 = tpu.memref_slice %arg5[%arg0, %mul3A_6, %dma_wait3A] : memref<2x10240x128xf32, #tpu.memory_space<hbm>> -> memref<1x640x128xf32, #tpu.memory_space<hbm>>
      %dma_wait3A_23 = tpu.memref_squeeze %dma_wait3A_22 : memref<1x640x128xf32, #tpu.memory_space<hbm>> -> memref<640x128xf32, #tpu.memory_space<hbm>>
      %dma_wait3A_24 = arith.constant 0 : i32
      %dma_wait3A_25 = tpu.memref_slice %arg12[%mul3A_6, %dma_wait3A_24] : memref<10240x128xf32, #tpu.memory_space<vmem_shared>> -> memref<640x128xf32, #tpu.memory_space<vmem_shared>>
      tpu.wait_dma2 semaphore(%run_scoped3A : memref<!tpu.dma_semaphore, #tpu.memory_space<semaphore_mem>>) src(%dma_wait3A_25 : memref<640x128xf32, #tpu.memory_space<vmem_shared>>) dst(%dma_wait3A_23 : memref<640x128xf32, #tpu.memory_space<hbm>>)
      tpu.yield
    }) : () -> ()
    return
  }
}

#map = affine_map<(d0, d1) -> (0, 0)>
#map1 = affine_map<(d0, d1) -> (0, 0, 0)>
module attributes {stable_mosaic.version = 14 : i64} {
  func.func @_sc_agg_body(%arg0: i32, %arg1: i32, %arg2: memref<10240x128xf32, #tpu.memory_space<hbm>>, %arg3: memref<2560x128xi32, #tpu.memory_space<hbm>>, %arg4: memref<2560x128xi32, #tpu.memory_space<hbm>>, %arg5: memref<2x10240x128xf32, #tpu.memory_space<hbm>>, %arg6: memref<8x128xi32, #tpu.memory_space<vmem>>, %arg7: memref<8x128xi32, #tpu.memory_space<vmem>>, %arg8: memref<128x128xf32, #tpu.memory_space<vmem>>, %arg9: memref<128x128xf32, #tpu.memory_space<vmem>>, %arg10: memref<!tpu.dma_semaphore, #tpu.memory_space<semaphore_mem>>, %arg11: memref<!tpu.dma_semaphore, #tpu.memory_space<semaphore_mem>>, %arg12: memref<10240x128xf32, #tpu.memory_space<vmem_shared>>) attributes {dimension_semantics = [#tpu.dimension_semantics<core_parallel>, #tpu.dimension_semantics<subcore_parallel>], iteration_bounds = array<i64: 2, 16>, scalar_prefetch = 0 : i64, scratch_operands = 7 : i64, tpu.core_type = #tpu.core_type<sc_vector_subcore>, window_params = [{transform_indices = #map}, {transform_indices = #map}, {transform_indices = #map}, {transform_indices = #map1}]} {
    %mul3A = arith.constant 16 : i32
    %mul3A_0 = arith.muli %arg0, %mul3A : i32
    %add3A = arith.addi %mul3A_0, %arg1 : i32
    %scan3A = arith.constant 0 : i32
    %scan3A_1 = arith.constant 128 : i32
    %scan3A_2 = arith.addi %scan3A, %scan3A_1 : i32
    %scan3A_3 = arith.constant 1 : i32
    scf.for %scan3A_18 = %scan3A to %scan3A_2 step %scan3A_3  : i32 {
      %mul3A_19 = arith.constant 1 : i32
      %mul3A_20 = arith.muli %scan3A_18, %mul3A_19 : i32
      %add3A_21 = arith.constant 0 : i32
      %add3A_22 = arith.addi %add3A_21, %mul3A_20 : i32
      %scan3A_23 = arith.constant 0 : i32
      %scan3A_24 = arith.constant 8 : i32
      %scan3A_25 = arith.addi %scan3A_23, %scan3A_24 : i32
      %scan3A_26 = arith.constant 1 : i32
      scf.for %scan3A_28 = %scan3A_23 to %scan3A_25 step %scan3A_26  : i32 {
        %mul3A_29 = arith.constant 16 : i32
        %mul3A_30 = arith.muli %scan3A_28, %mul3A_29 : i32
        %add3A_31 = arith.constant 0 : i32
        %add3A_32 = arith.addi %add3A_31, %mul3A_30 : i32
        %broadcast_in_dim3A = arith.constant 0.000000e+00 : f32
        %broadcast_in_dim3A_33 = vector.broadcast %broadcast_in_dim3A : f32 to vector<16xf32>
        %swap3A = arith.index_cast %add3A_22 : i32 to index
        %swap3A_34 = arith.index_cast %add3A_32 : i32 to index
        %swap3A_35 = tpu.vector_load %arg8[%swap3A, %swap3A_34] {strides = array<i32>} : memref<128x128xf32, #tpu.memory_space<vmem>>, vector<1x16xf32>,
        %swap3A_36 = vector.shape_cast %swap3A_35 : vector<1x16xf32> to vector<16xf32>
        %swap3A_37 = vector.shape_cast %broadcast_in_dim3A_33 : vector<16xf32> to vector<1x16xf32>
        tpu.vector_store %arg8[%swap3A, %swap3A_34], %swap3A_37 {strides = array<i32>} : memref<128x128xf32, #tpu.memory_space<vmem>>, vector<1x16xf32>,
      }
      %scan3A_27 = arith.constant 8 : i32
    }
    %scan3A_4 = arith.constant 128 : i32
    %mul3A_5 = arith.constant 640 : i32
    %mul3A_6 = arith.muli %arg1, %mul3A_5 : i32
    %scan3A_7 = arith.constant 0 : i32
    %scan3A_8 = arith.constant 5 : i32
    %scan3A_9 = arith.addi %scan3A_7, %scan3A_8 : i32
    %scan3A_10 = arith.constant 1 : i32
    scf.for %scan3A_18 = %scan3A_7 to %scan3A_9 step %scan3A_10  : i32 {
      %mul3A_19 = arith.constant 1 : i32
      %mul3A_20 = arith.muli %scan3A_18, %mul3A_19 : i32
      %add3A_21 = arith.constant 0 : i32
      %add3A_22 = arith.addi %add3A_21, %mul3A_20 : i32
      %mul3A_23 = arith.constant 128 : i32
      %mul3A_24 = arith.muli %add3A_22, %mul3A_23 : i32
      %add3A_25 = arith.addi %mul3A_6, %mul3A_24 : i32
      "tpu.region"() ({
        %run_scoped3A = tpu.sem_alloc : memref<!tpu.dma_semaphore, #tpu.memory_space<semaphore_mem>>
        %dma_start3A = arith.constant 0 : i32
        %dma_start3A_26 = tpu.memref_slice %arg12[%add3A_25, %dma_start3A] : memref<10240x128xf32, #tpu.memory_space<vmem_shared>> -> memref<128x128xf32, #tpu.memory_space<vmem_shared>>
        %dma_start3A_27 = arith.constant 0 : i32
        %dma_start3A_28 = tpu.memref_slice %arg12[%add3A_25, %dma_start3A_27] : memref<10240x128xf32, #tpu.memory_space<vmem_shared>> -> memref<128x128xf32, #tpu.memory_space<vmem_shared>>
        tpu.enqueue_dma source(%arg8 : memref<128x128xf32, #tpu.memory_space<vmem>>) target(%dma_start3A_28 : memref<128x128xf32, #tpu.memory_space<vmem_shared>>) target_semaphore(%run_scoped3A : memref<!tpu.dma_semaphore, #tpu.memory_space<semaphore_mem>>)
        %dma_wait3A = arith.constant 0 : i32
        %dma_wait3A_29 = tpu.memref_slice %arg12[%add3A_25, %dma_wait3A] : memref<10240x128xf32, #tpu.memory_space<vmem_shared>> -> memref<128x128xf32, #tpu.memory_space<vmem_shared>>
        %dma_wait3A_30 = arith.constant 0 : i32
        %dma_wait3A_31 = tpu.memref_slice %arg12[%add3A_25, %dma_wait3A_30] : memref<10240x128xf32, #tpu.memory_space<vmem_shared>> -> memref<128x128xf32, #tpu.memory_space<vmem_shared>>
        tpu.wait_dma2 semaphore(%run_scoped3A : memref<!tpu.dma_semaphore, #tpu.memory_space<semaphore_mem>>) src(%arg8 : memref<128x128xf32, #tpu.memory_space<vmem>>) dst(%dma_wait3A_31 : memref<128x128xf32, #tpu.memory_space<vmem_shared>>)
        tpu.yield
      }) : () -> ()
    }
    %scan3A_11 = arith.constant 5 : i32
    %barrier3A = arith.constant 0 : index
    tpu.barrier barrier_id(%barrier3A)
    %scan3A_12 = arith.constant 0 : i32
    %scan3A_13 = arith.constant 10 : i32
    %scan3A_14 = arith.addi %scan3A_12, %scan3A_13 : i32
    %scan3A_15 = arith.constant 1 : i32
    scf.for %scan3A_18 = %scan3A_12 to %scan3A_14 step %scan3A_15  : i32 {
      %mul3A_19 = arith.constant 1 : i32
      %mul3A_20 = arith.muli %scan3A_18, %mul3A_19 : i32
      %add3A_21 = arith.constant 0 : i32
      %add3A_22 = arith.addi %add3A_21, %mul3A_20 : i32
      %mul3A_23 = arith.constant 80 : i32
      %mul3A_24 = arith.muli %add3A, %mul3A_23 : i32
      %mul3A_25 = arith.constant 8 : i32
      %mul3A_26 = arith.muli %add3A_22, %mul3A_25 : i32
      %add3A_27 = arith.addi %mul3A_24, %mul3A_26 : i32
      "tpu.region"() ({
        %run_scoped3A = tpu.sem_alloc : memref<!tpu.dma_semaphore, #tpu.memory_space<semaphore_mem>>
        %dma_start3A_46 = arith.constant 0 : i32
        %dma_start3A_47 = tpu.memref_slice %arg3[%add3A_27, %dma_start3A_46] : memref<2560x128xi32, #tpu.memory_space<hbm>> -> memref<8x128xi32, #tpu.memory_space<hbm>>
        %dma_start3A_48 = arith.constant 0 : i32
        %dma_start3A_49 = tpu.memref_slice %arg3[%add3A_27, %dma_start3A_48] : memref<2560x128xi32, #tpu.memory_space<hbm>> -> memref<8x128xi32, #tpu.memory_space<hbm>>
        tpu.enqueue_dma source(%dma_start3A_49 : memref<8x128xi32, #tpu.memory_space<hbm>>) target(%arg6 : memref<8x128xi32, #tpu.memory_space<vmem>>) target_semaphore(%run_scoped3A : memref<!tpu.dma_semaphore, #tpu.memory_space<semaphore_mem>>)
        %dma_wait3A = arith.constant 0 : i32
        %dma_wait3A_50 = tpu.memref_slice %arg3[%add3A_27, %dma_wait3A] : memref<2560x128xi32, #tpu.memory_space<hbm>> -> memref<8x128xi32, #tpu.memory_space<hbm>>
        %dma_wait3A_51 = arith.constant 0 : i32
        %dma_wait3A_52 = tpu.memref_slice %arg3[%add3A_27, %dma_wait3A_51] : memref<2560x128xi32, #tpu.memory_space<hbm>> -> memref<8x128xi32, #tpu.memory_space<hbm>>
        tpu.wait_dma2 semaphore(%run_scoped3A : memref<!tpu.dma_semaphore, #tpu.memory_space<semaphore_mem>>) src(%dma_wait3A_52 : memref<8x128xi32, #tpu.memory_space<hbm>>) dst(%arg6 : memref<8x128xi32, #tpu.memory_space<vmem>>)
        tpu.yield
      }) : () -> ()
      "tpu.region"() ({
        %run_scoped3A = tpu.sem_alloc : memref<!tpu.dma_semaphore, #tpu.memory_space<semaphore_mem>>
        %dma_start3A_46 = arith.constant 0 : i32
        %dma_start3A_47 = tpu.memref_slice %arg4[%add3A_27, %dma_start3A_46] : memref<2560x128xi32, #tpu.memory_space<hbm>> -> memref<8x128xi32, #tpu.memory_space<hbm>>
        %dma_start3A_48 = arith.constant 0 : i32
        %dma_start3A_49 = tpu.memref_slice %arg4[%add3A_27, %dma_start3A_48] : memref<2560x128xi32, #tpu.memory_space<hbm>> -> memref<8x128xi32, #tpu.memory_space<hbm>>
        tpu.enqueue_dma source(%dma_start3A_49 : memref<8x128xi32, #tpu.memory_space<hbm>>) target(%arg7 : memref<8x128xi32, #tpu.memory_space<vmem>>) target_semaphore(%run_scoped3A : memref<!tpu.dma_semaphore, #tpu.memory_space<semaphore_mem>>)
        %dma_wait3A = arith.constant 0 : i32
        %dma_wait3A_50 = tpu.memref_slice %arg4[%add3A_27, %dma_wait3A] : memref<2560x128xi32, #tpu.memory_space<hbm>> -> memref<8x128xi32, #tpu.memory_space<hbm>>
        %dma_wait3A_51 = arith.constant 0 : i32
        %dma_wait3A_52 = tpu.memref_slice %arg4[%add3A_27, %dma_wait3A_51] : memref<2560x128xi32, #tpu.memory_space<hbm>> -> memref<8x128xi32, #tpu.memory_space<hbm>>
        tpu.wait_dma2 semaphore(%run_scoped3A : memref<!tpu.dma_semaphore, #tpu.memory_space<semaphore_mem>>) src(%dma_wait3A_52 : memref<8x128xi32, #tpu.memory_space<hbm>>) dst(%arg7 : memref<8x128xi32, #tpu.memory_space<vmem>>)
        tpu.yield
      }) : () -> ()
      %dma_start3A = arith.constant 0 : i32
      %dma_start3A_28 = arith.constant 0 : i32
      %dma_start3A_29 = tpu.memref_slice %arg6[%dma_start3A, %dma_start3A_28] : memref<8x128xi32, #tpu.memory_space<vmem>> -> memref<1x128xi32, #tpu.memory_space<vmem>>
      %dma_start3A_30 = tpu.memref_squeeze %dma_start3A_29 : memref<1x128xi32, #tpu.memory_space<vmem>> -> memref<128xi32, #tpu.memory_space<vmem>>
      %dma_start3A_31 = arith.constant 0 : i32
      %dma_start3A_32 = arith.constant 0 : i32
      %dma_start3A_33 = tpu.memref_slice %arg2[%dma_start3A_31, %dma_start3A_32] : memref<10240x128xf32, #tpu.memory_space<hbm>> -> memref<10240x128xf32, #tpu.memory_space<hbm>>
      tpu.enqueue_indirect_dma source(%dma_start3A_33 : memref<10240x128xf32, #tpu.memory_space<hbm>>) target(%arg8 : memref<128x128xf32, #tpu.memory_space<vmem>>) offsets(%dma_start3A_30 : memref<128xi32, #tpu.memory_space<vmem>>) semaphore(%arg10 : memref<!tpu.dma_semaphore, #tpu.memory_space<semaphore_mem>>)
      %dma_start3A_34 = arith.constant 1 : i32
      %dma_start3A_35 = arith.constant 0 : i32
      %dma_start3A_36 = tpu.memref_slice %arg6[%dma_start3A_34, %dma_start3A_35] : memref<8x128xi32, #tpu.memory_space<vmem>> -> memref<1x128xi32, #tpu.memory_space<vmem>>
      %dma_start3A_37 = tpu.memref_squeeze %dma_start3A_36 : memref<1x128xi32, #tpu.memory_space<vmem>> -> memref<128xi32, #tpu.memory_space<vmem>>
      %dma_start3A_38 = arith.constant 0 : i32
      %dma_start3A_39 = arith.constant 0 : i32
      %dma_start3A_40 = tpu.memref_slice %arg2[%dma_start3A_38, %dma_start3A_39] : memref<10240x128xf32, #tpu.memory_space<hbm>> -> memref<10240x128xf32, #tpu.memory_space<hbm>>
      tpu.enqueue_indirect_dma source(%dma_start3A_40 : memref<10240x128xf32, #tpu.memory_space<hbm>>) target(%arg9 : memref<128x128xf32, #tpu.memory_space<vmem>>) offsets(%dma_start3A_37 : memref<128xi32, #tpu.memory_space<vmem>>) semaphore(%arg11 : memref<!tpu.dma_semaphore, #tpu.memory_space<semaphore_mem>>)
      %scan3A_41 = arith.constant 0 : i32
      %scan3A_42 = arith.constant 4 : i32
      %scan3A_43 = arith.addi %scan3A_41, %scan3A_42 : i32
      %scan3A_44 = arith.constant 1 : i32
      scf.for %scan3A_46 = %scan3A_41 to %scan3A_43 step %scan3A_44  : i32 {
        %mul3A_47 = arith.constant 2 : i32
        %mul3A_48 = arith.muli %scan3A_46, %mul3A_47 : i32
        %add3A_49 = arith.constant 0 : i32
        %add3A_50 = arith.addi %add3A_49, %mul3A_48 : i32
        %add3A_51 = arith.constant 0 : i32
        %add3A_52 = arith.addi %add3A_50, %add3A_51 : i32
        %dma_wait3A = arith.constant 0 : i32
        %dma_wait3A_53 = tpu.memref_slice %arg6[%add3A_52, %dma_wait3A] : memref<8x128xi32, #tpu.memory_space<vmem>> -> memref<1x128xi32, #tpu.memory_space<vmem>>
        %dma_wait3A_54 = tpu.memref_squeeze %dma_wait3A_53 : memref<1x128xi32, #tpu.memory_space<vmem>> -> memref<128xi32, #tpu.memory_space<vmem>>
        %dma_wait3A_55 = arith.constant 0 : i32
        %dma_wait3A_56 = arith.constant 0 : i32
        %dma_wait3A_57 = tpu.memref_slice %arg2[%dma_wait3A_55, %dma_wait3A_56] : memref<10240x128xf32, #tpu.memory_space<hbm>> -> memref<10240x128xf32, #tpu.memory_space<hbm>>
        tpu.wait_indirect_dma semaphore(%arg10 : memref<!tpu.dma_semaphore, #tpu.memory_space<semaphore_mem>>) src(%dma_wait3A_57 : memref<10240x128xf32, #tpu.memory_space<hbm>>) dst(%arg8 : memref<128x128xf32, #tpu.memory_space<vmem>>)
        %add3A_58 = arith.constant 0 : i32
        %add3A_59 = arith.addi %add3A_50, %add3A_58 : i32
        "tpu.region"() ({
          %run_scoped3A = tpu.sem_alloc : memref<!tpu.dma_semaphore, #tpu.memory_space<semaphore_mem>>
          %dma_start3A_85 = arith.constant 0 : i32
          %dma_start3A_86 = tpu.memref_slice %arg7[%add3A_59, %dma_start3A_85] : memref<8x128xi32, #tpu.memory_space<vmem>> -> memref<1x128xi32, #tpu.memory_space<vmem>>
          %dma_start3A_87 = tpu.memref_squeeze %dma_start3A_86 : memref<1x128xi32, #tpu.memory_space<vmem>> -> memref<128xi32, #tpu.memory_space<vmem>>
          %dma_start3A_88 = arith.constant 0 : i32
          %dma_start3A_89 = arith.constant 0 : i32
          %dma_start3A_90 = tpu.memref_slice %arg12[%dma_start3A_88, %dma_start3A_89] : memref<10240x128xf32, #tpu.memory_space<vmem_shared>> -> memref<10240x128xf32, #tpu.memory_space<vmem_shared>>
          tpu.enqueue_indirect_dma source(%arg8 : memref<128x128xf32, #tpu.memory_space<vmem>>) target(%dma_start3A_90 : memref<10240x128xf32, #tpu.memory_space<vmem_shared>>) offsets(%dma_start3A_87 : memref<128xi32, #tpu.memory_space<vmem>>) semaphore(%run_scoped3A : memref<!tpu.dma_semaphore, #tpu.memory_space<semaphore_mem>>) {add = true}
          %dma_wait3A_91 = arith.constant 0 : i32
          %dma_wait3A_92 = tpu.memref_slice %arg7[%add3A_59, %dma_wait3A_91] : memref<8x128xi32, #tpu.memory_space<vmem>> -> memref<1x128xi32, #tpu.memory_space<vmem>>
          %dma_wait3A_93 = tpu.memref_squeeze %dma_wait3A_92 : memref<1x128xi32, #tpu.memory_space<vmem>> -> memref<128xi32, #tpu.memory_space<vmem>>
          %dma_wait3A_94 = arith.constant 0 : i32
          %dma_wait3A_95 = arith.constant 0 : i32
          %dma_wait3A_96 = tpu.memref_slice %arg12[%dma_wait3A_94, %dma_wait3A_95] : memref<10240x128xf32, #tpu.memory_space<vmem_shared>> -> memref<10240x128xf32, #tpu.memory_space<vmem_shared>>
          tpu.wait_indirect_dma semaphore(%run_scoped3A : memref<!tpu.dma_semaphore, #tpu.memory_space<semaphore_mem>>) src(%arg8 : memref<128x128xf32, #tpu.memory_space<vmem>>) dst(%dma_wait3A_96 : memref<10240x128xf32, #tpu.memory_space<vmem_shared>>)
          tpu.yield
        }) : () -> ()
        %add3A_60 = arith.constant 0 : i32
        %add3A_61 = arith.addi %add3A_50, %add3A_60 : i32
        %add3A_62 = arith.constant 2 : i32
        %add3A_63 = arith.addi %add3A_61, %add3A_62 : i32
        %lt3A = arith.constant 8 : i32
        %lt3A_64 = arith.cmpi slt, %add3A_63, %lt3A : i32
        %convert_element_type3A = arith.extui %lt3A_64 : i1 to i32
        %cond3A = arith.constant 0 : i32
        %cond3A_65 = arith.cmpi ne, %convert_element_type3A, %cond3A : i32
        scf.if %cond3A_65 {
          %add3A_85 = arith.constant 0 : i32
          %add3A_86 = arith.addi %add3A_50, %add3A_85 : i32
          %add3A_87 = arith.constant 2 : i32
          %add3A_88 = arith.addi %add3A_86, %add3A_87 : i32
          %dma_start3A_89 = arith.constant 0 : i32
          %dma_start3A_90 = tpu.memref_slice %arg6[%add3A_88, %dma_start3A_89] : memref<8x128xi32, #tpu.memory_space<vmem>> -> memref<1x128xi32, #tpu.memory_space<vmem>>
          %dma_start3A_91 = tpu.memref_squeeze %dma_start3A_90 : memref<1x128xi32, #tpu.memory_space<vmem>> -> memref<128xi32, #tpu.memory_space<vmem>>
          %dma_start3A_92 = arith.constant 0 : i32
          %dma_start3A_93 = arith.constant 0 : i32
          %dma_start3A_94 = tpu.memref_slice %arg2[%dma_start3A_92, %dma_start3A_93] : memref<10240x128xf32, #tpu.memory_space<hbm>> -> memref<10240x128xf32, #tpu.memory_space<hbm>>
          tpu.enqueue_indirect_dma source(%dma_start3A_94 : memref<10240x128xf32, #tpu.memory_space<hbm>>) target(%arg8 : memref<128x128xf32, #tpu.memory_space<vmem>>) offsets(%dma_start3A_91 : memref<128xi32, #tpu.memory_space<vmem>>) semaphore(%arg10 : memref<!tpu.dma_semaphore, #tpu.memory_space<semaphore_mem>>)
        } else {
        }
        %add3A_66 = arith.constant 1 : i32
        %add3A_67 = arith.addi %add3A_50, %add3A_66 : i32
        %dma_wait3A_68 = arith.constant 0 : i32
        %dma_wait3A_69 = tpu.memref_slice %arg6[%add3A_67, %dma_wait3A_68] : memref<8x128xi32, #tpu.memory_space<vmem>> -> memref<1x128xi32, #tpu.memory_space<vmem>>
        %dma_wait3A_70 = tpu.memref_squeeze %dma_wait3A_69 : memref<1x128xi32, #tpu.memory_space<vmem>> -> memref<128xi32, #tpu.memory_space<vmem>>
        %dma_wait3A_71 = arith.constant 0 : i32
        %dma_wait3A_72 = arith.constant 0 : i32
        %dma_wait3A_73 = tpu.memref_slice %arg2[%dma_wait3A_71, %dma_wait3A_72] : memref<10240x128xf32, #tpu.memory_space<hbm>> -> memref<10240x128xf32, #tpu.memory_space<hbm>>
        tpu.wait_indirect_dma semaphore(%arg11 : memref<!tpu.dma_semaphore, #tpu.memory_space<semaphore_mem>>) src(%dma_wait3A_73 : memref<10240x128xf32, #tpu.memory_space<hbm>>) dst(%arg9 : memref<128x128xf32, #tpu.memory_space<vmem>>)
        %add3A_74 = arith.constant 1 : i32
        %add3A_75 = arith.addi %add3A_50, %add3A_74 : i32
        "tpu.region"() ({
          %run_scoped3A = tpu.sem_alloc : memref<!tpu.dma_semaphore, #tpu.memory_space<semaphore_mem>>
          %dma_start3A_85 = arith.constant 0 : i32
          %dma_start3A_86 = tpu.memref_slice %arg7[%add3A_75, %dma_start3A_85] : memref<8x128xi32, #tpu.memory_space<vmem>> -> memref<1x128xi32, #tpu.memory_space<vmem>>
          %dma_start3A_87 = tpu.memref_squeeze %dma_start3A_86 : memref<1x128xi32, #tpu.memory_space<vmem>> -> memref<128xi32, #tpu.memory_space<vmem>>
          %dma_start3A_88 = arith.constant 0 : i32
          %dma_start3A_89 = arith.constant 0 : i32
          %dma_start3A_90 = tpu.memref_slice %arg12[%dma_start3A_88, %dma_start3A_89] : memref<10240x128xf32, #tpu.memory_space<vmem_shared>> -> memref<10240x128xf32, #tpu.memory_space<vmem_shared>>
          tpu.enqueue_indirect_dma source(%arg9 : memref<128x128xf32, #tpu.memory_space<vmem>>) target(%dma_start3A_90 : memref<10240x128xf32, #tpu.memory_space<vmem_shared>>) offsets(%dma_start3A_87 : memref<128xi32, #tpu.memory_space<vmem>>) semaphore(%run_scoped3A : memref<!tpu.dma_semaphore, #tpu.memory_space<semaphore_mem>>) {add = true}
          %dma_wait3A_91 = arith.constant 0 : i32
          %dma_wait3A_92 = tpu.memref_slice %arg7[%add3A_75, %dma_wait3A_91] : memref<8x128xi32, #tpu.memory_space<vmem>> -> memref<1x128xi32, #tpu.memory_space<vmem>>
          %dma_wait3A_93 = tpu.memref_squeeze %dma_wait3A_92 : memref<1x128xi32, #tpu.memory_space<vmem>> -> memref<128xi32, #tpu.memory_space<vmem>>
          %dma_wait3A_94 = arith.constant 0 : i32
          %dma_wait3A_95 = arith.constant 0 : i32
          %dma_wait3A_96 = tpu.memref_slice %arg12[%dma_wait3A_94, %dma_wait3A_95] : memref<10240x128xf32, #tpu.memory_space<vmem_shared>> -> memref<10240x128xf32, #tpu.memory_space<vmem_shared>>
          tpu.wait_indirect_dma semaphore(%run_scoped3A : memref<!tpu.dma_semaphore, #tpu.memory_space<semaphore_mem>>) src(%arg9 : memref<128x128xf32, #tpu.memory_space<vmem>>) dst(%dma_wait3A_96 : memref<10240x128xf32, #tpu.memory_space<vmem_shared>>)
          tpu.yield
        }) : () -> ()
        %add3A_76 = arith.constant 1 : i32
        %add3A_77 = arith.addi %add3A_50, %add3A_76 : i32
        %add3A_78 = arith.constant 2 : i32
        %add3A_79 = arith.addi %add3A_77, %add3A_78 : i32
        %lt3A_80 = arith.constant 8 : i32
        %lt3A_81 = arith.cmpi slt, %add3A_79, %lt3A_80 : i32
        %convert_element_type3A_82 = arith.extui %lt3A_81 : i1 to i32
        %cond3A_83 = arith.constant 0 : i32
        %cond3A_84 = arith.cmpi ne, %convert_element_type3A_82, %cond3A_83 : i32
        scf.if %cond3A_84 {
          %add3A_85 = arith.constant 1 : i32
          %add3A_86 = arith.addi %add3A_50, %add3A_85 : i32
          %add3A_87 = arith.constant 2 : i32
          %add3A_88 = arith.addi %add3A_86, %add3A_87 : i32
          %dma_start3A_89 = arith.constant 0 : i32
          %dma_start3A_90 = tpu.memref_slice %arg6[%add3A_88, %dma_start3A_89] : memref<8x128xi32, #tpu.memory_space<vmem>> -> memref<1x128xi32, #tpu.memory_space<vmem>>
          %dma_start3A_91 = tpu.memref_squeeze %dma_start3A_90 : memref<1x128xi32, #tpu.memory_space<vmem>> -> memref<128xi32, #tpu.memory_space<vmem>>
          %dma_start3A_92 = arith.constant 0 : i32
          %dma_start3A_93 = arith.constant 0 : i32
          %dma_start3A_94 = tpu.memref_slice %arg2[%dma_start3A_92, %dma_start3A_93] : memref<10240x128xf32, #tpu.memory_space<hbm>> -> memref<10240x128xf32, #tpu.memory_space<hbm>>
          tpu.enqueue_indirect_dma source(%dma_start3A_94 : memref<10240x128xf32, #tpu.memory_space<hbm>>) target(%arg9 : memref<128x128xf32, #tpu.memory_space<vmem>>) offsets(%dma_start3A_91 : memref<128xi32, #tpu.memory_space<vmem>>) semaphore(%arg11 : memref<!tpu.dma_semaphore, #tpu.memory_space<semaphore_mem>>)
        } else {
        }
      }
      %scan3A_45 = arith.constant 4 : i32
    }
    %scan3A_16 = arith.constant 10 : i32
    %barrier3A_17 = arith.constant 0 : index
    tpu.barrier barrier_id(%barrier3A_17)
    "tpu.region"() ({
      %run_scoped3A = tpu.sem_alloc : memref<!tpu.dma_semaphore, #tpu.memory_space<semaphore_mem>>
      %dma_start3A = arith.constant 0 : i32
      %dma_start3A_18 = tpu.memref_slice %arg5[%arg0, %mul3A_6, %dma_start3A] : memref<2x10240x128xf32, #tpu.memory_space<hbm>> -> memref<1x640x128xf32, #tpu.memory_space<hbm>>
      %dma_start3A_19 = tpu.memref_squeeze %dma_start3A_18 : memref<1x640x128xf32, #tpu.memory_space<hbm>> -> memref<640x128xf32, #tpu.memory_space<hbm>>
      %dma_start3A_20 = arith.constant 0 : i32
      %dma_start3A_21 = tpu.memref_slice %arg12[%mul3A_6, %dma_start3A_20] : memref<10240x128xf32, #tpu.memory_space<vmem_shared>> -> memref<640x128xf32, #tpu.memory_space<vmem_shared>>
      tpu.enqueue_dma source(%dma_start3A_21 : memref<640x128xf32, #tpu.memory_space<vmem_shared>>) target(%dma_start3A_19 : memref<640x128xf32, #tpu.memory_space<hbm>>) target_semaphore(%run_scoped3A : memref<!tpu.dma_semaphore, #tpu.memory_space<semaphore_mem>>)
      %dma_wait3A = arith.constant 0 : i32
      %dma_wait3A_22 = tpu.memref_slice %arg5[%arg0, %mul3A_6, %dma_wait3A] : memref<2x10240x128xf32, #tpu.memory_space<hbm>> -> memref<1x640x128xf32, #tpu.memory_space<hbm>>
      %dma_wait3A_23 = tpu.memref_squeeze %dma_wait3A_22 : memref<1x640x128xf32, #tpu.memory_space<hbm>> -> memref<640x128xf32, #tpu.memory_space<hbm>>
      %dma_wait3A_24 = arith.constant 0 : i32
      %dma_wait3A_25 = tpu.memref_slice %arg12[%mul3A_6, %dma_wait3A_24] : memref<10240x128xf32, #tpu.memory_space<vmem_shared>> -> memref<640x128xf32, #tpu.memory_space<vmem_shared>>
      tpu.wait_dma2 semaphore(%run_scoped3A : memref<!tpu.dma_semaphore, #tpu.memory_space<semaphore_mem>>) src(%dma_wait3A_25 : memref<640x128xf32, #tpu.memory_space<vmem_shared>>) dst(%dma_wait3A_23 : memref<640x128xf32, #tpu.memory_space<hbm>>)
      tpu.yield
    }) : () -> ()
    return
  }
}

module attributes {stable_mosaic.version = 14 : i64} {
  func.func @_tc_prescale_body(%arg0: i32, %arg1: memref<2x1024xf32, #tpu.memory_space<vmem>>, %arg2: memref<1024x128xf32, #tpu.memory_space<vmem>>, %arg3: memref<1024x128xf32, #tpu.memory_space<vmem>>) attributes {dimension_semantics = [#tpu.dimension_semantics<arbitrary>], iteration_bounds = array<i64: 10>, scalar_prefetch = 0 : i64, scratch_operands = 0 : i64, tpu.core_type = #tpu.core_type<tc>, window_params = [{transform_indices = @transform_0, window_bounds = array<i64: 2, 1024>}, {transform_indices = @transform_1, window_bounds = array<i64: 1024, 128>}, {transform_indices = @transform_2, window_bounds = array<i64: 1024, 128>}]} {
    %get3A = arith.constant 0 : index
    %get3A_0 = arith.constant 0 : index
    %get3A_1 = vector.load %arg2[%get3A, %get3A_0] : memref<1024x128xf32, #tpu.memory_space<vmem>>, vector<1024x128xf32>
    %get3A_2 = arith.constant 0 : index
    %get3A_3 = arith.constant 0 : index
    %get3A_4 = vector.load %arg1[%get3A_2, %get3A_3] : memref<2x1024xf32, #tpu.memory_space<vmem>>, vector<1x1024xf32>
    %get3A_5 = vector.shape_cast %get3A_4 : vector<1x1024xf32> to vector<1024xf32>
    %get3A_6 = arith.constant 1 : index
    %get3A_7 = arith.constant 0 : index
    %get3A_8 = vector.load %arg1[%get3A_6, %get3A_7] : memref<2x1024xf32, #tpu.memory_space<vmem>>, vector<1x1024xf32>
    %get3A_9 = vector.shape_cast %get3A_8 : vector<1x1024xf32> to vector<1024xf32>
    %add3A = arith.addf %get3A_5, %get3A_9 : vector<1024xf32>
    %add3A_10 = arith.constant 1.000000e+00 : f32
    %add3A_11 = vector.broadcast %add3A_10 : f32 to vector<1024xf32>
    %add3A_12 = arith.addf %add3A, %add3A_11 : vector<1024xf32>
    %max3A = arith.constant 1.000000e+00 : f32
    %max3A_13 = vector.broadcast %max3A : f32 to vector<1024xf32>
    %max3A_14 = arith.maximumf %add3A_12, %max3A_13 : vector<1024xf32>
    %rsqrt3A = math.rsqrt %max3A_14 : vector<1024xf32>
    %broadcast_in_dim3A = vector.shape_cast %rsqrt3A : vector<1024xf32> to vector<1024x1xf32>
    %mul3A = vector.broadcast %broadcast_in_dim3A : vector<1024x1xf32> to vector<1024x128xf32>
    %mul3A_15 = arith.mulf %get3A_1, %mul3A : vector<1024x128xf32>
    %swap3A = arith.constant 0 : index
    %swap3A_16 = arith.constant 0 : index
    %swap3A_17 = vector.load %arg3[%swap3A, %swap3A_16] : memref<1024x128xf32, #tpu.memory_space<vmem>>, vector<1024x128xf32>
    tpu.vector_store %arg3[%swap3A, %swap3A_16], %mul3A_15 {strides = array<i32>} : memref<1024x128xf32, #tpu.memory_space<vmem>>, vector<1024x128xf32>,
    return
  }
  func.func @transform_0(%arg0: i32) -> (i32, i32) {
    %c0_i32 = arith.constant 0 : i32
    %c0_i32_0 = arith.constant 0 : i32
    return %c0_i32, %arg0 : i32, i32
  }
  func.func @transform_1(%arg0: i32) -> (i32, i32) {
    %c0_i32 = arith.constant 0 : i32
    %c0_i32_0 = arith.constant 0 : i32
    return %arg0, %c0_i32 : i32, i32
  }
  func.func @transform_2(%arg0: i32) -> (i32, i32) {
    %c0_i32 = arith.constant 0 : i32
    %c0_i32_0 = arith.constant 0 : i32
    return %arg0, %c0_i32 : i32, i32
  }
}

module attributes {stable_mosaic.version = 14 : i64} {
  func.func @_tc_mid_body(%arg0: i32, %arg1: memref<2x1024x128xf32, #tpu.memory_space<vmem>>, %arg2: memref<1024x128xf32, #tpu.memory_space<vmem>>, %arg3: memref<2x1024xf32, #tpu.memory_space<vmem>>, %arg4: memref<128x256xf32, #tpu.memory_space<vmem>>, %arg5: memref<1x256xf32, #tpu.memory_space<vmem>>, %arg6: memref<256x128xf32, #tpu.memory_space<vmem>>, %arg7: memref<1024x128xf32, #tpu.memory_space<vmem>>) attributes {dimension_semantics = [#tpu.dimension_semantics<arbitrary>], iteration_bounds = array<i64: 10>, scalar_prefetch = 0 : i64, scratch_operands = 0 : i64, tpu.core_type = #tpu.core_type<tc>, window_params = [{transform_indices = @transform_0, window_bounds = array<i64: 2, 1024, 128>}, {transform_indices = @transform_1, window_bounds = array<i64: 1024, 128>}, {transform_indices = @transform_2, window_bounds = array<i64: 2, 1024>}, {pipeline_mode = #tpu.pipeline_mode<synchronous>, transform_indices = @transform_3, window_bounds = array<i64: 128, 256>}, {pipeline_mode = #tpu.pipeline_mode<synchronous>, transform_indices = @transform_4, window_bounds = array<i64: 1, 256>}, {pipeline_mode = #tpu.pipeline_mode<synchronous>, transform_indices = @transform_5, window_bounds = array<i64: 256, 128>}, {transform_indices = @transform_6, window_bounds = array<i64: 1024, 128>}]} {
    %get3A = arith.constant 0 : index
    %get3A_0 = arith.constant 0 : index
    %get3A_1 = vector.load %arg3[%get3A, %get3A_0] : memref<2x1024xf32, #tpu.memory_space<vmem>>, vector<1x1024xf32>
    %get3A_2 = vector.shape_cast %get3A_1 : vector<1x1024xf32> to vector<1024xf32>
    %get3A_3 = arith.constant 1 : index
    %get3A_4 = arith.constant 0 : index
    %get3A_5 = vector.load %arg3[%get3A_3, %get3A_4] : memref<2x1024xf32, #tpu.memory_space<vmem>>, vector<1x1024xf32>
    %get3A_6 = vector.shape_cast %get3A_5 : vector<1x1024xf32> to vector<1024xf32>
    %add3A = arith.addf %get3A_2, %get3A_6 : vector<1024xf32>
    %add3A_7 = arith.constant 1.000000e+00 : f32
    %add3A_8 = vector.broadcast %add3A_7 : f32 to vector<1024xf32>
    %add3A_9 = arith.addf %add3A, %add3A_8 : vector<1024xf32>
    %max3A = arith.constant 1.000000e+00 : f32
    %max3A_10 = vector.broadcast %max3A : f32 to vector<1024xf32>
    %max3A_11 = arith.maximumf %add3A_9, %max3A_10 : vector<1024xf32>
    %rsqrt3A = math.rsqrt %max3A_11 : vector<1024xf32>
    %broadcast_in_dim3A = vector.shape_cast %rsqrt3A : vector<1024xf32> to vector<1024x1xf32>
    %get3A_12 = arith.constant 0 : index
    %get3A_13 = arith.constant 0 : index
    %get3A_14 = arith.constant 0 : index
    %get3A_15 = vector.load %arg1[%get3A_12, %get3A_13, %get3A_14] : memref<2x1024x128xf32, #tpu.memory_space<vmem>>, vector<1x1024x128xf32>
    %get3A_16 = vector.shape_cast %get3A_15 : vector<1x1024x128xf32> to vector<1024x128xf32>
    %get3A_17 = arith.constant 1 : index
    %get3A_18 = arith.constant 0 : index
    %get3A_19 = arith.constant 0 : index
    %get3A_20 = vector.load %arg1[%get3A_17, %get3A_18, %get3A_19] : memref<2x1024x128xf32, #tpu.memory_space<vmem>>, vector<1x1024x128xf32>
    %get3A_21 = vector.shape_cast %get3A_20 : vector<1x1024x128xf32> to vector<1024x128xf32>
    %add3A_22 = arith.addf %get3A_16, %get3A_21 : vector<1024x128xf32>
    %get3A_23 = arith.constant 0 : index
    %get3A_24 = arith.constant 0 : index
    %get3A_25 = vector.load %arg2[%get3A_23, %get3A_24] : memref<1024x128xf32, #tpu.memory_space<vmem>>, vector<1024x128xf32>
    %add3A_26 = arith.addf %add3A_22, %get3A_25 : vector<1024x128xf32>
    %mul3A = vector.broadcast %broadcast_in_dim3A : vector<1024x1xf32> to vector<1024x128xf32>
    %mul3A_27 = arith.mulf %add3A_26, %mul3A : vector<1024x128xf32>
    %get3A_28 = arith.constant 0 : index
    %get3A_29 = arith.constant 0 : index
    %get3A_30 = vector.load %arg4[%get3A_28, %get3A_29] : memref<128x256xf32, #tpu.memory_space<vmem>>, vector<128x256xf32>
    %dot_general3A = arith.constant dense<0.000000e+00> : vector<1024x256xf32>
    %dot_general3A_31 = tpu.matmul %mul3A_27, %get3A_30, %dot_general3A {dimension_numbers = #tpu.dot_dimension_numbers<[1], [0], [0], [1], [0, 0, 1, 1], [], []>, precision = #tpu.contract_precision<fp32>, transpose_lhs_hint = false} : vector<1024x128xf32>, vector<128x256xf32>, vector<1024x256xf32> -> vector<1024x256xf32>
    %get3A_32 = arith.constant 0 : index
    %get3A_33 = arith.constant 0 : index
    %get3A_34 = vector.load %arg5[%get3A_32, %get3A_33] : memref<1x256xf32, #tpu.memory_space<vmem>>, vector<1x256xf32>
    %add3A_35 = vector.broadcast %get3A_34 : vector<1x256xf32> to vector<1024x256xf32>
    %add3A_36 = arith.addf %dot_general3A_31, %add3A_35 : vector<1024x256xf32>
    %max3A_37 = arith.constant 0.000000e+00 : f32
    %max3A_38 = vector.broadcast %max3A_37 : f32 to vector<1024x256xf32>
    %max3A_39 = arith.maximumf %add3A_36, %max3A_38 : vector<1024x256xf32>
    %get3A_40 = arith.constant 0 : index
    %get3A_41 = arith.constant 0 : index
    %get3A_42 = vector.load %arg6[%get3A_40, %get3A_41] : memref<256x128xf32, #tpu.memory_space<vmem>>, vector<256x128xf32>
    %dot_general3A_43 = arith.constant dense<0.000000e+00> : vector<1024x128xf32>
    %dot_general3A_44 = tpu.matmul %max3A_39, %get3A_42, %dot_general3A_43 {dimension_numbers = #tpu.dot_dimension_numbers<[1], [0], [0], [1], [0, 0, 1, 1], [], []>, precision = #tpu.contract_precision<fp32>, transpose_lhs_hint = false} : vector<1024x256xf32>, vector<256x128xf32>, vector<1024x128xf32> -> vector<1024x128xf32>
    %mul3A_45 = vector.broadcast %broadcast_in_dim3A : vector<1024x1xf32> to vector<1024x128xf32>
    %mul3A_46 = arith.mulf %dot_general3A_44, %mul3A_45 : vector<1024x128xf32>
    %swap3A = arith.constant 0 : index
    %swap3A_47 = arith.constant 0 : index
    %swap3A_48 = vector.load %arg7[%swap3A, %swap3A_47] : memref<1024x128xf32, #tpu.memory_space<vmem>>, vector<1024x128xf32>
    tpu.vector_store %arg7[%swap3A, %swap3A_47], %mul3A_46 {strides = array<i32>} : memref<1024x128xf32, #tpu.memory_space<vmem>>, vector<1024x128xf32>,
    return
  }
  func.func @transform_0(%arg0: i32) -> (i32, i32, i32) {
    %c0_i32 = arith.constant 0 : i32
    %c0_i32_0 = arith.constant 0 : i32
    %c0_i32_1 = arith.constant 0 : i32
    return %c0_i32, %arg0, %c0_i32_0 : i32, i32, i32
  }
  func.func @transform_1(%arg0: i32) -> (i32, i32) {
    %c0_i32 = arith.constant 0 : i32
    %c0_i32_0 = arith.constant 0 : i32
    return %arg0, %c0_i32 : i32, i32
  }
  func.func @transform_2(%arg0: i32) -> (i32, i32) {
    %c0_i32 = arith.constant 0 : i32
    %c0_i32_0 = arith.constant 0 : i32
    return %c0_i32, %arg0 : i32, i32
  }
  func.func @transform_3(%arg0: i32) -> (i32, i32) {
    %c0_i32 = arith.constant 0 : i32
    %c0_i32_0 = arith.constant 0 : i32
    %c0_i32_1 = arith.constant 0 : i32
    return %c0_i32, %c0_i32_0 : i32, i32
  }
  func.func @transform_4(%arg0: i32) -> (i32, i32) {
    %c0_i32 = arith.constant 0 : i32
    %c0_i32_0 = arith.constant 0 : i32
    %c0_i32_1 = arith.constant 0 : i32
    return %c0_i32, %c0_i32_0 : i32, i32
  }
  func.func @transform_5(%arg0: i32) -> (i32, i32) {
    %c0_i32 = arith.constant 0 : i32
    %c0_i32_0 = arith.constant 0 : i32
    %c0_i32_1 = arith.constant 0 : i32
    return %c0_i32, %c0_i32_0 : i32, i32
  }
  func.func @transform_6(%arg0: i32) -> (i32, i32) {
    %c0_i32 = arith.constant 0 : i32
    %c0_i32_0 = arith.constant 0 : i32
    return %arg0, %c0_i32 : i32, i32
  }
}

module attributes {stable_mosaic.version = 14 : i64} {
  func.func @_tc_final_body(%arg0: i32, %arg1: memref<2x1024x128xf32, #tpu.memory_space<vmem>>, %arg2: memref<1024x128xf32, #tpu.memory_space<vmem>>, %arg3: memref<2x1024xf32, #tpu.memory_space<vmem>>, %arg4: memref<1x64xf32, #tpu.memory_space<vmem>>, %arg5: memref<1x64xf32, #tpu.memory_space<vmem>>, %arg6: memref<1024x64xf32, #tpu.memory_space<vmem>>, %arg7: memref<1024x64xf32, #tpu.memory_space<vmem>>) attributes {dimension_semantics = [#tpu.dimension_semantics<arbitrary>], iteration_bounds = array<i64: 10>, scalar_prefetch = 0 : i64, scratch_operands = 0 : i64, tpu.core_type = #tpu.core_type<tc>, window_params = [{transform_indices = @transform_0, window_bounds = array<i64: 2, 1024, 128>}, {transform_indices = @transform_1, window_bounds = array<i64: 1024, 128>}, {transform_indices = @transform_2, window_bounds = array<i64: 2, 1024>}, {pipeline_mode = #tpu.pipeline_mode<synchronous>, transform_indices = @transform_3, window_bounds = array<i64: 1, 64>}, {pipeline_mode = #tpu.pipeline_mode<synchronous>, transform_indices = @transform_4, window_bounds = array<i64: 1, 64>}, {transform_indices = @transform_5, window_bounds = array<i64: 1024, 64>}, {transform_indices = @transform_6, window_bounds = array<i64: 1024, 64>}]} {
    %get3A = arith.constant 0 : index
    %get3A_0 = arith.constant 0 : index
    %get3A_1 = vector.load %arg3[%get3A, %get3A_0] : memref<2x1024xf32, #tpu.memory_space<vmem>>, vector<1x1024xf32>
    %get3A_2 = vector.shape_cast %get3A_1 : vector<1x1024xf32> to vector<1024xf32>
    %get3A_3 = arith.constant 1 : index
    %get3A_4 = arith.constant 0 : index
    %get3A_5 = vector.load %arg3[%get3A_3, %get3A_4] : memref<2x1024xf32, #tpu.memory_space<vmem>>, vector<1x1024xf32>
    %get3A_6 = vector.shape_cast %get3A_5 : vector<1x1024xf32> to vector<1024xf32>
    %add3A = arith.addf %get3A_2, %get3A_6 : vector<1024xf32>
    %add3A_7 = arith.constant 1.000000e+00 : f32
    %add3A_8 = vector.broadcast %add3A_7 : f32 to vector<1024xf32>
    %add3A_9 = arith.addf %add3A, %add3A_8 : vector<1024xf32>
    %max3A = arith.constant 1.000000e+00 : f32
    %max3A_10 = vector.broadcast %max3A : f32 to vector<1024xf32>
    %max3A_11 = arith.maximumf %add3A_9, %max3A_10 : vector<1024xf32>
    %rsqrt3A = math.rsqrt %max3A_11 : vector<1024xf32>
    %broadcast_in_dim3A = vector.shape_cast %rsqrt3A : vector<1024xf32> to vector<1024x1xf32>
    %get3A_12 = arith.constant 0 : index
    %get3A_13 = arith.constant 0 : index
    %get3A_14 = arith.constant 0 : index
    %get3A_15 = vector.load %arg1[%get3A_12, %get3A_13, %get3A_14] : memref<2x1024x128xf32, #tpu.memory_space<vmem>>, vector<1x1024x128xf32>
    %get3A_16 = vector.shape_cast %get3A_15 : vector<1x1024x128xf32> to vector<1024x128xf32>
    %get3A_17 = arith.constant 1 : index
    %get3A_18 = arith.constant 0 : index
    %get3A_19 = arith.constant 0 : index
    %get3A_20 = vector.load %arg1[%get3A_17, %get3A_18, %get3A_19] : memref<2x1024x128xf32, #tpu.memory_space<vmem>>, vector<1x1024x128xf32>
    %get3A_21 = vector.shape_cast %get3A_20 : vector<1x1024x128xf32> to vector<1024x128xf32>
    %add3A_22 = arith.addf %get3A_16, %get3A_21 : vector<1024x128xf32>
    %get3A_23 = arith.constant 0 : index
    %get3A_24 = arith.constant 0 : index
    %get3A_25 = vector.load %arg2[%get3A_23, %get3A_24] : memref<1024x128xf32, #tpu.memory_space<vmem>>, vector<1024x128xf32>
    %add3A_26 = arith.addf %add3A_22, %get3A_25 : vector<1024x128xf32>
    %mul3A = vector.broadcast %broadcast_in_dim3A : vector<1024x1xf32> to vector<1024x128xf32>
    %mul3A_27 = arith.mulf %add3A_26, %mul3A : vector<1024x128xf32>
    %slice3A = vector.extract_strided_slice %mul3A_27 {offsets = [0, 0], sizes = [1024, 64], strides = [1, 1]} : vector<1024x128xf32> to vector<1024x64xf32>
    %get3A_28 = arith.constant 0 : index
    %get3A_29 = arith.constant 0 : index
    %get3A_30 = vector.load %arg4[%get3A_28, %get3A_29] : memref<1x64xf32, #tpu.memory_space<vmem>>, vector<1x64xf32>
    %add3A_31 = vector.broadcast %get3A_30 : vector<1x64xf32> to vector<1024x64xf32>
    %add3A_32 = arith.addf %slice3A, %add3A_31 : vector<1024x64xf32>
    %swap3A = arith.constant 0 : index
    %swap3A_33 = arith.constant 0 : index
    %swap3A_34 = vector.load %arg6[%swap3A, %swap3A_33] : memref<1024x64xf32, #tpu.memory_space<vmem>>, vector<1024x64xf32>
    tpu.vector_store %arg6[%swap3A, %swap3A_33], %add3A_32 {strides = array<i32>} : memref<1024x64xf32, #tpu.memory_space<vmem>>, vector<1024x64xf32>,
    %slice3A_35 = vector.extract_strided_slice %mul3A_27 {offsets = [0, 64], sizes = [1024, 64], strides = [1, 1]} : vector<1024x128xf32> to vector<1024x64xf32>
    %get3A_36 = arith.constant 0 : index
    %get3A_37 = arith.constant 0 : index
    %get3A_38 = vector.load %arg5[%get3A_36, %get3A_37] : memref<1x64xf32, #tpu.memory_space<vmem>>, vector<1x64xf32>
    %add3A_39 = vector.broadcast %get3A_38 : vector<1x64xf32> to vector<1024x64xf32>
    %add3A_40 = arith.addf %slice3A_35, %add3A_39 : vector<1024x64xf32>
    %swap3A_41 = arith.constant 0 : index
    %swap3A_42 = arith.constant 0 : index
    %swap3A_43 = vector.load %arg7[%swap3A_41, %swap3A_42] : memref<1024x64xf32, #tpu.memory_space<vmem>>, vector<1024x64xf32>
    tpu.vector_store %arg7[%swap3A_41, %swap3A_42], %add3A_40 {strides = array<i32>} : memref<1024x64xf32, #tpu.memory_space<vmem>>, vector<1024x64xf32>,
    return
  }
  func.func @transform_0(%arg0: i32) -> (i32, i32, i32) {
    %c0_i32 = arith.constant 0 : i32
    %c0_i32_0 = arith.constant 0 : i32
    %c0_i32_1 = arith.constant 0 : i32
    return %c0_i32, %arg0, %c0_i32_0 : i32, i32, i32
  }
  func.func @transform_1(%arg0: i32) -> (i32, i32) {
    %c0_i32 = arith.constant 0 : i32
    %c0_i32_0 = arith.constant 0 : i32
    return %arg0, %c0_i32 : i32, i32
  }
  func.func @transform_2(%arg0: i32) -> (i32, i32) {
    %c0_i32 = arith.constant 0 : i32
    %c0_i32_0 = arith.constant 0 : i32
    return %c0_i32, %arg0 : i32, i32
  }
  func.func @transform_3(%arg0: i32) -> (i32, i32) {
    %c0_i32 = arith.constant 0 : i32
    %c0_i32_0 = arith.constant 0 : i32
    %c0_i32_1 = arith.constant 0 : i32
    return %c0_i32, %c0_i32_0 : i32, i32
  }
  func.func @transform_4(%arg0: i32) -> (i32, i32) {
    %c0_i32 = arith.constant 0 : i32
    %c0_i32_0 = arith.constant 0 : i32
    %c0_i32_1 = arith.constant 0 : i32
    return %c0_i32, %c0_i32_0 : i32, i32
  }
  func.func @transform_5(%arg0: i32) -> (i32, i32) {
    %c0_i32 = arith.constant 0 : i32
    %c0_i32_0 = arith.constant 0 : i32
    return %arg0, %c0_i32 : i32, i32
  }
  func.func @transform_6(%arg0: i32) -> (i32, i32) {
    %c0_i32 = arith.constant 0 : i32
    %c0_i32_0 = arith.constant 0 : i32
    return %arg0, %c0_i32 : i32, i32
  }
}

</mosaic_0001>

<sc_bundles>
// kernel: kernel.11.cloned.1.call-start
scs
__scs_entry_jumppad:
0x0: {  	(pc) =	sbr.rel $0x88, $3  }
0x1: {  	(tag) =	ssettag $0x0;
	lr =	simm.s32 $0x1  }
0x2: {  	[smem:$0x3F99] =	sst lr;
	_ =	strace $0xD0000000  }
0x3: {  	_ = 	snop  }
0x4: {  	_ = 	snop  }
0x5: {  	_ = 	snop  }
0x6: {  	_ = 	snop  }
0x7: {  	_ = 	snop  }
__scs_overlays_trampoline_lowered:
0x8: {  	[smem:$0x3FA8] =	sst s0  }
0x9: {  	[smem:$0x3FA9] =	sst s1  }
0xa: {  	[smem:$0x3FAA] =	sst s2  }
0xb: {  	[smem:$0x3FAB] =	sst s3  }
0xc: {  	[smem:$0x3FAC] =	sst s4  }
0xd: {  	[smem:$0x3FAD] =	sst s5  }
0xe: {  	[smem:$0x3FAE] =	sst s6  }
0xf: {  	[smem:$0x3FAF] =	sst s7  }
0x10: {  	[smem:$0x3FB0] =	sst s8  }
0x11: {  	[smem:$0x3FB1] =	sst s9;
	s0 =	simm.s32 @!p0 $0x0  }
0x12: {  	s1 =	sld [smem:$0x3F97];
	s0 =	simm.s32 @p0 $0x1  }
0x13: {  	[smem:$0x3FB2] =	sst s0;
	s0 =	simm.s32 @!p1 $0x0  }
0x14: {  	s2 =	sld [smem:$0x3F96];
	s0 =	simm.s32 @p1 $0x1  }
0x15: {  	[smem:$0x3FB3] =	sst s0;
	s0 =	simm.s32 @!p2 $0x0  }
0x16: {  	s3 =	sld [smem:$0x3FDB];
	s0 =	simm.s32 @p2 $0x1  }
0x17: {  	s4 =	simm.s32 $0x1BF5;
	[smem:$0x3FB5] =	sst s0  }
0x18: {  	s0 =	sld [smem:$0x3F98];
	_ =	swait.ge [sflag:s4], $0x0  }
0x19: {  	s7 =	sld [smem:$0x3F99]  }
0x1a: {  	s8 =	sadd.s32 $0xFFFFE003, lr  }
0x1b: {  	s9 =	sadd.s32 $0xFFFFFEF7, lr;
	s5 =	simm.s32 $0xFFFFFFFF;
	p2 =	slt.u32 s8, $0xFFFFF086  }
0x1c: {  	p1 =	slt.u32 s9, $0xF7A;
	s5 =	simm.s32 @!p2 $0x0  }
0x1d: {  	s5 =	simm.s32 @p1 $0x1;
	p0 =	seq.s32 s7, s2  }
0x1e: {  	s7 =	smul.u32 @!p0 $0xF7A, s2;
	p2 =	seq.s32 @!p0 s5, $0x0  }
0x1f: {  	s9 =	smul.u32 $0xF7A, s1;
	s8 =	simm.s32 @!p0 $0x1BF5;
	p2 =	por !p2, p0  }
0x20: {  	[sflag:s8] =	ssyncset.s32 @!p0 $0xFFFFF086;
	s6 =	sadd.s32 @!p0 s3, s7;
	s7 =	simm.s32 @!p0 $0x108  }
0x21: {  	s3 =	sadd.s32 s3, s9;
	s6 =	sadd.s32 @!p0 $0x88, s6;
	s7 =	simm.s32 @p2 $0x1082  }
0x22: {  	[simem:s7], [sflag:s8] =	dma.local @!p0 [hbm:s6], $0xF7A  }
0x23: {  	s9 =	sor.u32 $0xD0000000, s2;
	s6 =	simm.s32 $0x108;
	_ =	swait.ge @!p0 [sflag:s8], $0x0  }
0x24: {  	s3 =	sadd.s32 $0x88, s3;
	s6 =	simm.s32 @!p1 $0x1082;
	[sflag:s4] =	ssyncset.s32 $0xFFFFF086  }
0x25: {  	[simem:s6], [sflag:s4] =	dma.local [hbm:s3], $0xF7A  }
0x26: {  	[smem:$0x3F99] =	sst s1;
	(tag) =	ssettag s2;
	_ =	strace s9  }
0x27: {  	s1 =	sld [smem:$0x3FA9]  }
0x28: {  	s2 =	sld [smem:$0x3FAA]  }
0x29: {  	s4 =	sld [smem:$0x3FAC]  }
0x2a: {  	p0 =	seq.s32 s5, $0x0;
	s5 =	sld [smem:$0x3FAD]  }
0x2b: {  	s6 =	sld [smem:$0x3FAE]  }
0x2c: {  	s7 =	sld [smem:$0x3FAF]  }
0x2d: {  	s3 =	simm.s32 $0x108;
	s8 =	sld [smem:$0x3FB0]  }
0x2e: {  	s3 =	simm.s32 @!p0 $0x1082;
	s9 =	sld [smem:$0x3FB1]  }
0x2f: {  	lr =	sadd.s32 s0, s3;
	s0 =	sld [smem:$0x3FA8]  }
0x30: {  	s3 =	sld [smem:$0x3FAB]  }
0x31: {  	[smem:$0x3FB4] =	sst s10  }
0x32: {  	s10 =	sld [smem:$0x3FB2];
	_ =	sdelay $0x3  }
0x33: {  	p0 =	seq.s32 s10, $0x1;
	s10 =	sld [smem:$0x3FB4];
	_ =	sdelay $0x3  }
0x34: {  	[smem:$0x3FB4] =	sst s10  }
0x35: {  	s10 =	sld [smem:$0x3FB3];
	_ =	sdelay $0x3  }
0x36: {  	p1 =	seq.s32 s10, $0x1;
	s10 =	sld [smem:$0x3FB4];
	_ =	sdelay $0x3  }
0x37: {  	[smem:$0x3FB4] =	sst s10  }
0x38: {  	s10 =	sld [smem:$0x3FB5]  }
0x39: {  	_ = 	snop;
	(pc) =	sbr.ind lr, $3  }
0x3a: {  	_ = 	snop  }
0x3b: {  	_ = 	snop  }
0x3c: {  	p2 =	seq.s32 s10, $0x1;
	s10 =	sld [smem:$0x3FB4]  }
0x3d: {  	_ =	shalt  }
0x3e: {  	_ =	shalt  }
0x3f: {  	_ =	shalt  }
0x40: {  	_ =	shalt  }
0x41: {  	_ =	shalt  }
0x42: {  	_ =	shalt  }
0x43: {  	_ =	shalt  }
0x44: {  	_ =	shalt  }
0x45: {  	_ =	shalt  }
0x46: {  	_ =	shalt  }
0x47: {  	_ =	shalt  }
0x48: {  	_ =	shalt  }
0x49: {  	_ =	shalt  }
0x4a: {  	_ =	shalt  }
0x4b: {  	_ =	shalt  }
0x4c: {  	_ =	shalt  }
0x4d: {  	_ =	shalt  }
0x4e: {  	_ =	shalt  }
0x4f: {  	_ =	shalt  }
0x50: {  	_ =	shalt  }
0x51: {  	_ =	shalt  }
0x52: {  	_ =	shalt  }
0x53: {  	_ =	shalt  }
0x54: {  	_ =	shalt  }
0x55: {  	_ =	shalt  }
0x56: {  	_ =	shalt  }
0x57: {  	_ =	shalt  }
0x58: {  	_ =	shalt  }
0x59: {  	_ =	shalt  }
0x5a: {  	_ =	shalt  }
0x5b: {  	_ =	shalt  }
0x5c: {  	_ =	shalt  }
0x5d: {  	_ =	shalt  }
0x5e: {  	_ =	shalt  }
0x5f: {  	_ =	shalt  }
0x60: {  	_ =	shalt  }
0x61: {  	_ =	shalt  }
0x62: {  	_ =	shalt  }
0x63: {  	_ =	shalt  }
0x64: {  	_ =	shalt  }
0x65: {  	_ =	shalt  }
0x66: {  	_ =	shalt  }
0x67: {  	_ =	shalt  }
0x68: {  	_ =	shalt  }
0x69: {  	_ =	shalt  }
0x6a: {  	_ =	shalt  }
0x6b: {  	_ =	shalt  }
0x6c: {  	_ =	shalt  }
0x6d: {  	_ =	shalt  }
0x6e: {  	_ =	shalt  }
0x6f: {  	_ =	shalt  }
0x70: {  	_ =	shalt  }
0x71: {  	_ =	shalt  }
0x72: {  	_ =	shalt  }
0x73: {  	_ =	shalt  }
0x74: {  	_ =	shalt  }
0x75: {  	_ =	shalt  }
0x76: {  	_ =	shalt  }
0x77: {  	_ =	shalt  }
0x78: {  	_ =	shalt  }
0x79: {  	_ =	shalt  }
0x7a: {  	_ =	shalt  }
0x7b: {  	_ =	shalt  }
0x7c: {  	_ =	shalt  }
0x7d: {  	_ =	shalt  }
0x7e: {  	_ =	shalt  }
0x7f: {  	_ =	shalt  }
0x80: {  	_ =	shalt  }
0x81: {  	_ =	shalt  }
0x82: {  	_ =	shalt  }
0x83: {  	_ =	shalt  }
0x84: {  	_ =	shalt  }
0x85: {  	_ =	shalt  }
0x86: {  	_ =	shalt  }
0x87: {  	_ =	shalt  }
.Lfunc_end0:
.L_simem_size_0:
called_computation.1_lowered:
.L_overlay_start_0:
0x88: {  	s2 =	sld [smem:$0x3FD9]  }
0x89: {  	s3 =	sld [smem:$0x3FFE];
	_ =	sdelay $0x1  }
0x8a: {  	s1 =	srdreg.scid  }
0x8b: {  	s0 =	sand.u32 $0x1, s1  }
0x8c: {  	s14 =	sshll.u32 s0, $0xA;
	s2 =	sadd.s32 s3, s2  }
0x8d: {  	s2 =	sadd.s32 s2, s14  }
0x8e: {  	[smem:$0x3FC0] =	sst s2  }
0x8f: {  	_ = 	snop  }
0x90: {  	s2 =	sld [smem:$0x3FD0];
	_ =	sdelay $0x2  }
0x91: {  	s15 =	simm.s32 $0xA;
	s4 =	simm.s32 $0x10  }
0x92: {  	[smem:s4], [sflag:s15] =	dma.local [hbm:s2], $0x1  }
0x93: {  	_ =	swait.eq [sflag:s15], $0x1  }
0x94: {  	[sflag:s15] =	ssyncset.done $0x0  }
0x95: {  	s16 =	sld [smem:$0x10];
	[sflag:s15] =	ssyncadd.s32 $0xFFFFFFFF  }
0x96: {  	s17 =	sld [smem:$0x11];
	(tm) =	ssettm $0x1  }
0x97: {  	s18 =	sld [smem:$0x3FFB];
	_ =	sdelay $0x3  }
0x98: {  	_ =	strace s18  }
0x99: {  	s4 =	sld [smem:$0x3FFC];
	_ =	sdelay $0x3  }
0x9a: {  	_ =	strace s4  }
0x9b: {  	s4 =	sld [smem:$0x3FFD];
	_ =	sdelay $0x3  }
0x9c: {  	_ =	strace s4  }
0x9d: {  	_ =	strace $0x8FFFFFFF  }
0x9e: {  	s19 =	sld [smem:$0x3FDB];
	_ =	sdelay $0x1  }
0x9f: {  	s5 =	simm.s32 $_scs_section_size  }
0xa0: {  	s6 =	simm.s32 $_size__tile_overlayer_lowered;
	s7 =	simm.s32 $_tile_overlayer_lowered  }
0xa1: {  	s22 =	simm.s32 $0x1BFF;
	s21 =	sshll.u32 s7, $0x1;
	s4 =	sadd.s32 s5, s19  }
0xa2: {  	s8 =	simm.s32 $0x0;
	s20 =	sshll.u32 s6, $0x1;
	s6 =	sadd.s32 s21, s4  }
0xa3: {  	[timem:s8], [sflag:s22] =	dma.local [hbm:s6], s20  }
0xa4: {  	_ =	swait.ge [sflag:s22], s20  }
0xa5: {  	s5 =	ssub.s32 $0x0, s20;
	[sflag:s22] =	ssyncset.done $0x0  }
0xa6: {  	[sflag:s22] =	ssyncadd.s32 s5;
	_ =	sdelay $0x1  }
0xa7: {  	s23 =	simm.s32 $0x1B8B  }
0xa8: {  	_ =	swait.ge [sflag:s23], $0x1  }
0xa9: {  	[sflag:s23] =	ssyncset.done $0x0  }
0xaa: {  	s25 =	simm.s32 $0x1B8E;
	s24 =	sld [smem:$0x3FFE];
	[sflag:s23] =	ssyncadd.s32 $0xFFFFFFFF  }
0xab: {  	s26 =	simm.s32 $execute0_lowered;
	[smem:$0x3FD2] =	sst s25  }
0xac: {  	s6 =	sshll.u32 s26, $0x1;
	_ =	strace $0x80000049;
	[dreg:$0x1] =	wrdreg $0xFFFFFFFF  }
0xad: {  	s28 =	simm.s32 $_size_execute0_lowered;
	s4 =	sadd.s32 s4, s6;
	[dreg:$0x0] =	wrdreg $0x0  }
0xae: {  	s6 =	sshll.u32 s28, $0x1;
	[dreg:$0x2] =	wrdreg s4  }
0xaf: {  	[dreg:$0x3] =	wrdreg s6  }
0xb0: {  	[dreg:$0x4] =	wrdreg $0xC0  }
0xb1: {  	_ =	task [dreg:s8], $0x5FFFF  }
0xb2: {  	[dreg:$0x1] =	wrdreg $0xFFFFFFFF  }
0xb3: {  	[dreg:$0x0] =	wrdreg $0x60  }
0xb4: {  	[dreg:$0x2] =	wrdreg s24  }
0xb5: {  	[dreg:$0x3] =	wrdreg s16  }
0xb6: {  	[dreg:$0x4] =	wrdreg s17  }
0xb7: {  	[dreg:$0x5] =	wrdreg $0x88000  }
0xb8: {  	[dreg:$0x6] =	wrdreg $0x9  }
0xb9: {  	_ =	task.clear_ibuf [dreg:s8], $0x7FFFF;
	_ =	strace $0x90000049  }
0xba: {  	s29 =	simm.s32 $0x9;
	_ =	strace $0x8000004B  }
0xbb: {  	_ =	swait.ge [sflag:s29], $0x1  }
0xbc: {  	[sflag:s29] =	ssyncadd.s32 $0xFFFFFFFF  }
0xbd: {  	_ =	strace $0x9000004B  }
0xbe: {  	_ =	sfence  }
0xbf: {  	s30 =	sld [smem:$0x0];
	_ =	sdelay $0x2  }
0xc0: {  	s31 =	sshll.u32 s1, $0xD;
	s1 =	sshrl.u32 s1, $0x2  }
0xc1: {  	s3 =	sand.u32 $0x4000, s31;
	s1 =	sadd.s32 s1, s30  }
0xc2: {  	s0 =	sor.u32 s3, s0;
	s1 =	sshll.u32 s1, $0x11  }
0xc3: {  	s0 =	sor.u32 s1, s0  }
0xc4: {  	s0 =	sadd.s32 $0x8F2B, s0  }
0xc5: {  	[sflag:s0] =	ssyncadd.remote.s32 $0x1  }
0xc6: {  	_ =	sfence.sel $0xFFFF  }
0xc7: {  	[dreg:$0x0] =	wrdreg $0xFFFFFFFF;
	(pc) =	sbr.abs _section_cstart, $3  }
0xc8: {  	[dreg:$0x1] =	wrdreg $0xFFFFFFFF  }
0xc9: {  	_ =	task.clear_ibuf [dreg:s8], $0x2FFFF;
	_ =	strace $0x9FFFFFFF  }
0xca: {  	(tm) =	ssettm $0x7FFFFFFF  }
0xcb: {  	_ =	shalt  }
tec
execute0_lowered:
.L_overlay_start_1:
0x0: {  	(tag) =	ssettag $0x1  }
0x1: {  	s0 =	rddreg [dreg:$0x0]  }
0x2: {  	s1 =	rddreg [dreg:$0x1];
	s2 =	srdreg.scid  }
0x3: {  	s6 =	rddreg [dreg:$0x2];
	s12 =	stileid.u32  }
0x4: {  	s3 =	simm.s32 $0x0;
	s14 =	simm.s32 $0x800;
	s15 =	simm.s32 $0x3  }
0x5: {  	s16 =	simm.s32 $0x400;
	s17 =	simm.s32 $0x80;
	s18 =	simm.s32 $0x4800  }
0x6: {  	s19 =	simm.s32 $0x1;
	s28 =	simm.s32 $0x580;
	s7 =	smul.u32 $0x14000, s12  }
0x7: {  	s29 =	simm.s32 $0x280;
	s30 =	simm.s32 $0x600;
	s9 =	smul.u32 $0x50000, s12  }
0x8: {  	s5 =	sand.u32 $0x1, s2;
	s2 =	rddreg [dreg:$0x3];
	s26 =	smul.u32 $0x2800, s12  }
0x9: {  	s31 =	simm.s32 $0x300;
	[smem:$0x7FF] =	sst s3;
	s4 =	smul.u32 $0x140000, s5  }
0xa: {  	_ =	strace $0x8000004A;
	s20 =	ssub.s32 $0x2, s5;
	s11 =	smul.u32 $0x28000, s5  }
0xb: {  	s10 =	sshrl.u32 s20, $0x1;
	s9 =	sshrl.u32 s9, $0x2;
	s4 =	sadd.s32 s7, s4  }
0xc: {  	s21 =	sadd.s32 s9, s2;
	s25 =	sadd.s32 s26, s11;
	s8 =	sshrl.u32 s4, $0x3  }
0xd: {  	s4 =	sadd.s32 $0x3000, s0;
	s23 =	sadd.s32 $0x4000, s21;
	[dreg:$0x5] =	wrdreg s21  }
0xe: {  	s24 =	sadd.s32 $0x8000, s21;
	s26 =	sadd.s32 $0xC000, s21;
	[dreg:$0x8] =	wrdreg s23  }
0xf: {  	s5 =	sadd.s32 $0x10000, s21;
	s21 =	simm.s32 $0x2;
	[dreg:$0x9] =	wrdreg s24  }
0x10: {  	s0 =	sadd.s32 s8, s0;
	s8 =	ssub.s32 s20, s10;
	[dreg:$0xa] =	wrdreg s26  }
0x11: {  	s10 =	sadd.s32 s7, s2;
	[dreg:$0xb] =	wrdreg s5;
	s7 =	sshrl.u32 s25, $0x3  }
0x12: {  	s20 =	simm.s32 $0x100;
	s23 =	simm.s32 $0x180;
	s24 =	simm.s32 $0x500  }
0x13: {  	s26 =	simm.s32 $0x200;
	s0 =	sadd.s32 $0x2B000, s0;
	s22 =	smax.u32 s8, $0x1  }
0x14: {  	s12 =	sadd.s32 s7, s6;
	s13 =	sadd.s32 s7, s1;
	s1 =	simm.s32 $0x680  }
0x15: {  	s6 =	simm.s32 $0x700;
	s7 =	simm.s32 $0x780;
	[dreg:$0x6] =	wrdreg s0  }
0x16: {  	s8 =	simm.s32 $0x0;
	[dreg:$0x7] =	wrdreg s22;
	s0 =	sshrl.u32 s10, $0x3  }
0x17: {  	v0 =	vimm.f32 $0.0e+00;
	s22 =	simm.s32 $0x480;
	[dreg:$0xc] =	wrdreg s0;
	s0 =	simm.s32 $0x380  }
.LBB2_1:
0x18: {  	s9 =	simm.s32 $0x0;
	s10 =	simm.s32 $0x200  }
.LBB2_2:
0x19: {  	p0 =	sne.s32 s10, $0xFE00;
	[tilespmem:s9+$0x870] =	vst v0  }
0x1a: {  	[tilespmem:s9+$0x800] =	vst v0  }
0x1b: {  	[tilespmem:s9+$0x810] =	vst v0  }
.Ltmp0:
0x1c: {  	[tilespmem:s9+$0x820] =	vst v0;
	(pc) =	sbr.rel @p0 .LBB2_2-.Ltmp0, $4  }
0x1d: {  	[tilespmem:s9+$0x830] =	vst v0  }
0x1e: {  	[tilespmem:s9+$0x840] =	vst v0  }
0x1f: {  	[tilespmem:s9+$0x850] =	vst v0  }
0x20: {  	[tilespmem:s9+$0x860] =	vst v0;
	s9 =	sshra.s32 s10, $0x2;
	s10 =	sadd.s32 $0x200, s10  }
0x21: {  	[tilespmem:s9+$0x870] =	vst v0  }
0x22: {  	[tilespmem:s9+$0x800] =	vst v0  }
0x23: {  	[tilespmem:s9+$0x810] =	vst v0  }
0x24: {  	[tilespmem:s9+$0x820] =	vst v0  }
0x25: {  	[tilespmem:s9+$0x830] =	vst v0  }
0x26: {  	[tilespmem:s9+$0x840] =	vst v0  }
0x27: {  	[tilespmem:s9+$0x850] =	vst v0  }
0x28: {  	[tilespmem:s9+$0x860] =	vst v0;
	s5 =	rddreg [dreg:$0x5]  }
0x29: {  	[spmem:s5] =	stream.linear.scatter [tilespmem:s14], [sflag:$0x3], $0x4000, $0x38;
	[tilespmem:$0x1C800] =	vst v63  }
0x2a: {  	_ =	swait.ge [sflag:s15], $0x4000  }
0x2b: {  	[sflag:s15] =	ssyncset.done $0x0  }
0x2c: {  	s11 =	rddreg [dreg:$0x8];
	[sflag:s15] =	ssyncadd.s32 $0xFFFFC000  }
0x2d: {  	[spmem:s11] =	stream.linear.scatter [tilespmem:s14], [sflag:$0x3], $0x4000, $0x38;
	[tilespmem:$0x1C800] =	vst v63  }
0x2e: {  	_ =	swait.ge [sflag:s15], $0x4000  }
0x2f: {  	[sflag:s15] =	ssyncset.done $0x0  }
0x30: {  	s25 =	rddreg [dreg:$0x9];
	[sflag:s15] =	ssyncadd.s32 $0xFFFFC000  }
0x31: {  	[spmem:s25] =	stream.linear.scatter [tilespmem:s14], [sflag:$0x3], $0x4000, $0x38;
	[tilespmem:$0x1C800] =	vst v63  }
0x32: {  	_ =	swait.ge [sflag:s15], $0x4000  }
0x33: {  	[sflag:s15] =	ssyncset.done $0x0  }
0x34: {  	s9 =	rddreg [dreg:$0xa];
	[sflag:s15] =	ssyncadd.s32 $0xFFFFC000  }
0x35: {  	[spmem:s9] =	stream.linear.scatter [tilespmem:s14], [sflag:$0x3], $0x4000, $0x38;
	[tilespmem:$0x1C800] =	vst v63  }
0x36: {  	_ =	swait.ge [sflag:s15], $0x4000  }
0x37: {  	[sflag:s15] =	ssyncset.done $0x0  }
0x38: {  	s10 =	rddreg [dreg:$0xb];
	[sflag:s15] =	ssyncadd.s32 $0xFFFFC000  }
0x39: {  	[spmem:s10] =	stream.linear.scatter [tilespmem:s14], [sflag:$0x3], $0x4000, $0x38;
	[tilespmem:$0x1C800] =	vst v63  }
0x3a: {  	_ =	swait.ge [sflag:s15], $0x4000  }
0x3b: {  	[sflag:s15] =	ssyncset.done $0x0  }
0x3c: {  	[sflag:s15] =	ssyncadd.s32 $0xFFFFC000  }
0x3d: {  	s11 =	sadd.s32 $0x0, s13;
	[bflag:$0x0] =	sbarrier.arrive $0xFFFF  }
0x3e: {  	[tilespmem:s3], [sflag:$0x3] =	stream.linear.gather [hbm4b:s11+s3], $0x400, $0x38;
	[tilespmem:$0x1C800] =	vst v63  }
0x3f: {  	_ =	swait.ge [sflag:s15], $0x400  }
0x40: {  	[sflag:s15] =	ssyncset.done $0x0  }
0x41: {  	s25 =	sadd.s32 $0x0, s12;
	[sflag:s15] =	ssyncadd.s32 $0xFFFFFC00  }
0x42: {  	[tilespmem:s16], [sflag:$0x3] =	stream.linear.gather [hbm4b:s25+s3], $0x400, $0x38;
	[tilespmem:$0x1C800] =	vst v63  }
0x43: {  	_ =	swait.ge [sflag:s15], $0x400  }
0x44: {  	[sflag:s15] =	ssyncset.done $0x0  }
0x45: {  	[sflag:s15] =	ssyncadd.s32 $0xFFFFFC00  }
0x46: {  	[tilespmem:s14], [sflag:$0x1] =	stream.indirect.gather [hbm4b:s4+s17], $0x80, s3, s17, $0xb8;
	[tilespmem:$0x1C800] =	vst v63  }
0x47: {  	_ = 	snop  }
0x48: {  	[tilespmem:s18], [sflag:$0x2] =	stream.indirect.gather [hbm4b:s4+s17], $0x80, s17, s17, $0xb8;
	[tilespmem:$0x1C800] =	vst v63  }
0x49: {  	_ =	swait.ge [sflag:s19], $0x4000  }
0x4a: {  	[sflag:s19] =	ssyncset.done $0x0  }
0x4b: {  	[sflag:s19] =	ssyncadd.s32 $0xFFFFC000  }
0x4c: {  	[spmem:s2] =	stream.indirect.scatter.add.f32 [tilespmem:s14], [sflag:$0x3], $0x80, s16, s17, $0xb8;
	[tilespmem:$0x1C800] =	vst v63  }
0x4d: {  	_ =	swait.ge [sflag:s15], $0x4000  }
0x4e: {  	[sflag:s15] =	ssyncset.done $0x0  }
0x4f: {  	[sflag:s15] =	ssyncadd.s32 $0xFFFFC000  }
0x50: {  	[tilespmem:s14], [sflag:$0x1] =	stream.indirect.gather [hbm4b:s4+s17], $0x80, s20, s17, $0xb8;
	[tilespmem:$0x1C800] =	vst v63  }
0x51: {  	_ =	swait.ge [sflag:s21], $0x4000  }
0x52: {  	[sflag:s21] =	ssyncset.done $0x0  }
0x53: {  	[sflag:s21] =	ssyncadd.s32 $0xFFFFC000  }
0x54: {  	[spmem:s2] =	stream.indirect.scatter.add.f32 [tilespmem:s18], [sflag:$0x3], $0x80, s22, s17, $0xb8;
	[tilespmem:$0x1C800] =	vst v63  }
0x55: {  	_ =	swait.ge [sflag:s15], $0x4000  }
0x56: {  	[sflag:s15] =	ssyncset.done $0x0  }
0x57: {  	[sflag:s15] =	ssyncadd.s32 $0xFFFFC000  }
0x58: {  	[tilespmem:s18], [sflag:$0x2] =	stream.indirect.gather [hbm4b:s4+s17], $0x80, s23, s17, $0xb8;
	[tilespmem:$0x1C800] =	vst v63  }
0x59: {  	_ =	swait.ge [sflag:s19], $0x4000  }
0x5a: {  	[sflag:s19] =	ssyncset.done $0x0  }
0x5b: {  	[sflag:s19] =	ssyncadd.s32 $0xFFFFC000  }
0x5c: {  	[spmem:s2] =	stream.indirect.scatter.add.f32 [tilespmem:s14], [sflag:$0x3], $0x80, s24, s17, $0xb8;
	[tilespmem:$0x1C800] =	vst v63  }
0x5d: {  	_ =	swait.ge [sflag:s15], $0x4000  }
0x5e: {  	[sflag:s15] =	ssyncset.done $0x0  }
0x5f: {  	[sflag:s15] =	ssyncadd.s32 $0xFFFFC000  }
0x60: {  	[tilespmem:s14], [sflag:$0x1] =	stream.indirect.gather [hbm4b:s4+s17], $0x80, s26, s17, $0xb8;
	[tilespmem:$0x1C800] =	vst v63  }
0x61: {  	_ =	swait.ge [sflag:s21], $0x4000  }
0x62: {  	[sflag:s21] =	ssyncset.done $0x0  }
0x63: {  	[sflag:s21] =	ssyncadd.s32 $0xFFFFC000  }
0x64: {  	[spmem:s2] =	stream.indirect.scatter.add.f32 [tilespmem:s18], [sflag:$0x3], $0x80, s28, s17, $0xb8;
	[tilespmem:$0x1C800] =	vst v63  }
0x65: {  	_ =	swait.ge [sflag:s15], $0x4000  }
0x66: {  	[sflag:s15] =	ssyncset.done $0x0  }
0x67: {  	[sflag:s15] =	ssyncadd.s32 $0xFFFFC000  }
0x68: {  	[tilespmem:s18], [sflag:$0x2] =	stream.indirect.gather [hbm4b:s4+s17], $0x80, s29, s17, $0xb8;
	[tilespmem:$0x1C800] =	vst v63  }
0x69: {  	_ =	swait.ge [sflag:s19], $0x4000  }
0x6a: {  	[sflag:s19] =	ssyncset.done $0x0  }
0x6b: {  	[sflag:s19] =	ssyncadd.s32 $0xFFFFC000  }
0x6c: {  	[spmem:s2] =	stream.indirect.scatter.add.f32 [tilespmem:s14], [sflag:$0x3], $0x80, s30, s17, $0xb8;
	[tilespmem:$0x1C800] =	vst v63  }
0x6d: {  	_ =	swait.ge [sflag:s15], $0x4000  }
0x6e: {  	[sflag:s15] =	ssyncset.done $0x0  }
0x6f: {  	[sflag:s15] =	ssyncadd.s32 $0xFFFFC000  }
0x70: {  	[tilespmem:s14], [sflag:$0x1] =	stream.indirect.gather [hbm4b:s4+s17], $0x80, s31, s17, $0xb8;
	[tilespmem:$0x1C800] =	vst v63  }
0x71: {  	_ =	swait.ge [sflag:s21], $0x4000  }
0x72: {  	[sflag:s21] =	ssyncset.done $0x0  }
0x73: {  	[sflag:s21] =	ssyncadd.s32 $0xFFFFC000  }
0x74: {  	[spmem:s2] =	stream.indirect.scatter.add.f32 [tilespmem:s18], [sflag:$0x3], $0x80, s1, s17, $0xb8;
	[tilespmem:$0x1C800] =	vst v63  }
0x75: {  	_ =	swait.ge [sflag:s15], $0x4000  }
0x76: {  	[sflag:s15] =	ssyncset.done $0x0  }
0x77: {  	[sflag:s15] =	ssyncadd.s32 $0xFFFFC000  }
0x78: {  	[tilespmem:s18], [sflag:$0x2] =	stream.indirect.gather [hbm4b:s4+s17], $0x80, s0, s17, $0xb8;
	[tilespmem:$0x1C800] =	vst v63  }
0x79: {  	_ =	swait.ge [sflag:s19], $0x4000  }
0x7a: {  	[sflag:s19] =	ssyncset.done $0x0  }
0x7b: {  	[sflag:s19] =	ssyncadd.s32 $0xFFFFC000  }
0x7c: {  	[spmem:s2] =	stream.indirect.scatter.add.f32 [tilespmem:s14], [sflag:$0x3], $0x80, s6, s17, $0xb8;
	[tilespmem:$0x1C800] =	vst v63  }
0x7d: {  	_ =	swait.ge [sflag:s15], $0x4000  }
0x7e: {  	[sflag:s15] =	ssyncset.done $0x0  }
0x7f: {  	[sflag:s15] =	ssyncadd.s32 $0xFFFFC000  }
0x80: {  	_ =	swait.ge [sflag:s21], $0x4000  }
0x81: {  	[sflag:s21] =	ssyncset.done $0x0  }
0x82: {  	[sflag:s21] =	ssyncadd.s32 $0xFFFFC000  }
0x83: {  	[spmem:s2] =	stream.indirect.scatter.add.f32 [tilespmem:s18], [sflag:$0x3], $0x80, s7, s17, $0xb8;
	[tilespmem:$0x1C800] =	vst v63  }
0x84: {  	_ =	swait.ge [sflag:s15], $0x4000  }
0x85: {  	s9 =	simm.s32 $0x80;
	s10 =	simm.s32 $0x100;
	[sflag:s15] =	ssyncset.done $0x0  }
.LBB2_4:
0x86: {  	s25 =	sadd.s32 s9, s13  }
0x87: {  	[sflag:s15] =	ssyncadd.s32 $0xFFFFC000;
	s5 =	smov.u32 s10;
	s11 =	sadd.s32 $0x80, s10  }
0x88: {  	[tilespmem:s3], [sflag:$0x3] =	stream.linear.gather [hbm4b:s25+s3], $0x400, $0x38;
	[tilespmem:$0x1C800] =	vst v63  }
0x89: {  	p0 =	sne.s32 s10, $0x480;
	_ =	swait.ge [sflag:s15], $0x400  }
0x8a: {  	[sflag:s15] =	ssyncset.done $0x0  }
0x8b: {  	s10 =	sadd.s32 s9, s12;
	s9 =	smov.u32 s5;
	[sflag:s15] =	ssyncadd.s32 $0xFFFFFC00  }
0x8c: {  	[tilespmem:s16], [sflag:$0x3] =	stream.linear.gather [hbm4b:s10+s3], $0x400, $0x38;
	[tilespmem:$0x1C800] =	vst v63  }
0x8d: {  	_ =	swait.ge [sflag:s15], $0x400  }
0x8e: {  	[sflag:s15] =	ssyncset.done $0x0  }
0x8f: {  	[sflag:s15] =	ssyncadd.s32 $0xFFFFFC00  }
0x90: {  	[tilespmem:s14], [sflag:$0x1] =	stream.indirect.gather [hbm4b:s4+s17], $0x80, s3, s17, $0xb8;
	[tilespmem:$0x1C800] =	vst v63  }
0x91: {  	_ = 	snop  }
0x92: {  	[tilespmem:s18], [sflag:$0x2] =	stream.indirect.gather [hbm4b:s4+s17], $0x80, s17, s17, $0xb8;
	[tilespmem:$0x1C800] =	vst v63  }
0x93: {  	_ =	swait.ge [sflag:s19], $0x4000  }
0x94: {  	[sflag:s19] =	ssyncset.done $0x0  }
0x95: {  	[sflag:s19] =	ssyncadd.s32 $0xFFFFC000  }
0x96: {  	[spmem:s2] =	stream.indirect.scatter.add.f32 [tilespmem:s14], [sflag:$0x3], $0x80, s16, s17, $0xb8;
	[tilespmem:$0x1C800] =	vst v63  }
0x97: {  	_ =	swait.ge [sflag:s15], $0x4000  }
0x98: {  	[sflag:s15] =	ssyncset.done $0x0  }
0x99: {  	[sflag:s15] =	ssyncadd.s32 $0xFFFFC000  }
0x9a: {  	[tilespmem:s14], [sflag:$0x1] =	stream.indirect.gather [hbm4b:s4+s17], $0x80, s20, s17, $0xb8;
	[tilespmem:$0x1C800] =	vst v63  }
0x9b: {  	_ =	swait.ge [sflag:s21], $0x4000  }
0x9c: {  	[sflag:s21] =	ssyncset.done $0x0  }
0x9d: {  	[sflag:s21] =	ssyncadd.s32 $0xFFFFC000  }
0x9e: {  	[spmem:s2] =	stream.indirect.scatter.add.f32 [tilespmem:s18], [sflag:$0x3], $0x80, s22, s17, $0xb8;
	[tilespmem:$0x1C800] =	vst v63  }
0x9f: {  	_ =	swait.ge [sflag:s15], $0x4000  }
0xa0: {  	[sflag:s15] =	ssyncset.done $0x0  }
0xa1: {  	[sflag:s15] =	ssyncadd.s32 $0xFFFFC000  }
0xa2: {  	[tilespmem:s18], [sflag:$0x2] =	stream.indirect.gather [hbm4b:s4+s17], $0x80, s23, s17, $0xb8;
	[tilespmem:$0x1C800] =	vst v63  }
0xa3: {  	_ =	swait.ge [sflag:s19], $0x4000  }
0xa4: {  	[sflag:s19] =	ssyncset.done $0x0  }
0xa5: {  	[sflag:s19] =	ssyncadd.s32 $0xFFFFC000  }
0xa6: {  	[spmem:s2] =	stream.indirect.scatter.add.f32 [tilespmem:s14], [sflag:$0x3], $0x80, s24, s17, $0xb8;
	[tilespmem:$0x1C800] =	vst v63  }
0xa7: {  	_ =	swait.ge [sflag:s15], $0x4000  }
0xa8: {  	[sflag:s15] =	ssyncset.done $0x0  }
0xa9: {  	[sflag:s15] =	ssyncadd.s32 $0xFFFFC000  }
0xaa: {  	[tilespmem:s14], [sflag:$0x1] =	stream.indirect.gather [hbm4b:s4+s17], $0x80, s26, s17, $0xb8;
	[tilespmem:$0x1C800] =	vst v63  }
0xab: {  	_ =	swait.ge [sflag:s21], $0x4000  }
0xac: {  	[sflag:s21] =	ssyncset.done $0x0  }
0xad: {  	[sflag:s21] =	ssyncadd.s32 $0xFFFFC000  }
0xae: {  	[spmem:s2] =	stream.indirect.scatter.add.f32 [tilespmem:s18], [sflag:$0x3], $0x80, s28, s17, $0xb8;
	[tilespmem:$0x1C800] =	vst v63  }
0xaf: {  	_ =	swait.ge [sflag:s15], $0x4000  }
0xb0: {  	[sflag:s15] =	ssyncset.done $0x0  }
0xb1: {  	[sflag:s15] =	ssyncadd.s32 $0xFFFFC000  }
0xb2: {  	[tilespmem:s18], [sflag:$0x2] =	stream.indirect.gather [hbm4b:s4+s17], $0x80, s29, s17, $0xb8;
	[tilespmem:$0x1C800] =	vst v63  }
0xb3: {  	_ =	swait.ge [sflag:s19], $0x4000  }
0xb4: {  	[sflag:s19] =	ssyncset.done $0x0  }
0xb5: {  	[sflag:s19] =	ssyncadd.s32 $0xFFFFC000  }
0xb6: {  	[spmem:s2] =	stream.indirect.scatter.add.f32 [tilespmem:s14], [sflag:$0x3], $0x80, s30, s17, $0xb8;
	[tilespmem:$0x1C800] =	vst v63  }
0xb7: {  	_ =	swait.ge [sflag:s15], $0x4000  }
0xb8: {  	[sflag:s15] =	ssyncset.done $0x0  }
0xb9: {  	[sflag:s15] =	ssyncadd.s32 $0xFFFFC000  }
0xba: {  	[tilespmem:s14], [sflag:$0x1] =	stream.indirect.gather [hbm4b:s4+s17], $0x80, s31, s17, $0xb8;
	[tilespmem:$0x1C800] =	vst v63  }
0xbb: {  	_ =	swait.ge [sflag:s21], $0x4000  }
0xbc: {  	[sflag:s21] =	ssyncset.done $0x0  }
0xbd: {  	[sflag:s21] =	ssyncadd.s32 $0xFFFFC000  }
0xbe: {  	[spmem:s2] =	stream.indirect.scatter.add.f32 [tilespmem:s18], [sflag:$0x3], $0x80, s1, s17, $0xb8;
	[tilespmem:$0x1C800] =	vst v63  }
0xbf: {  	_ =	swait.ge [sflag:s15], $0x4000  }
0xc0: {  	[sflag:s15] =	ssyncset.done $0x0  }
0xc1: {  	[sflag:s15] =	ssyncadd.s32 $0xFFFFC000  }
0xc2: {  	[tilespmem:s18], [sflag:$0x2] =	stream.indirect.gather [hbm4b:s4+s17], $0x80, s0, s17, $0xb8;
	[tilespmem:$0x1C800] =	vst v63  }
0xc3: {  	_ =	swait.ge [sflag:s19], $0x4000  }
0xc4: {  	[sflag:s19] =	ssyncset.done $0x0  }
0xc5: {  	[sflag:s19] =	ssyncadd.s32 $0xFFFFC000  }
0xc6: {  	[spmem:s2] =	stream.indirect.scatter.add.f32 [tilespmem:s14], [sflag:$0x3], $0x80, s6, s17, $0xb8;
	[tilespmem:$0x1C800] =	vst v63  }
0xc7: {  	_ =	swait.ge [sflag:s15], $0x4000  }
0xc8: {  	[sflag:s15] =	ssyncset.done $0x0  }
0xc9: {  	[sflag:s15] =	ssyncadd.s32 $0xFFFFC000  }
0xca: {  	_ =	swait.ge [sflag:s21], $0x4000  }
.Ltmp1:
0xcb: {  	[sflag:s21] =	ssyncset.done $0x0;
	(pc) =	sbr.rel @p0 .LBB2_4-.Ltmp1, $4  }
0xcc: {  	[sflag:s21] =	ssyncadd.s32 $0xFFFFC000  }
0xcd: {  	[spmem:s2] =	stream.indirect.scatter.add.f32 [tilespmem:s18], [sflag:$0x3], $0x80, s7, s17, $0xb8;
	[tilespmem:$0x1C800] =	vst v63  }
0xce: {  	_ =	swait.ge [sflag:s15], $0x4000  }
0xcf: {  	s10 =	smov.u32 s11;
	[sflag:s15] =	ssyncset.done $0x0  }
0xd0: {  	s5 =	sadd.s32 s9, s13;
	[sflag:s15] =	ssyncadd.s32 $0xFFFFC000  }
0xd1: {  	[tilespmem:s3], [sflag:$0x3] =	stream.linear.gather [hbm4b:s5+s3], $0x400, $0x38;
	[tilespmem:$0x1C800] =	vst v63  }
0xd2: {  	_ =	swait.ge [sflag:s15], $0x400  }
0xd3: {  	[sflag:s15] =	ssyncset.done $0x0  }
0xd4: {  	s9 =	sadd.s32 s9, s12;
	[sflag:s15] =	ssyncadd.s32 $0xFFFFFC00  }
0xd5: {  	[tilespmem:s16], [sflag:$0x3] =	stream.linear.gather [hbm4b:s9+s3], $0x400, $0x38;
	[tilespmem:$0x1C800] =	vst v63  }
0xd6: {  	_ =	swait.ge [sflag:s15], $0x400  }
0xd7: {  	[sflag:s15] =	ssyncset.done $0x0  }
0xd8: {  	[sflag:s15] =	ssyncadd.s32 $0xFFFFFC00  }
0xd9: {  	[tilespmem:s14], [sflag:$0x1] =	stream.indirect.gather [hbm4b:s4+s17], $0x80, s3, s17, $0xb8;
	[tilespmem:$0x1C800] =	vst v63  }
0xda: {  	_ = 	snop  }
0xdb: {  	[tilespmem:s18], [sflag:$0x2] =	stream.indirect.gather [hbm4b:s4+s17], $0x80, s17, s17, $0xb8;
	[tilespmem:$0x1C800] =	vst v63  }
0xdc: {  	_ =	swait.ge [sflag:s19], $0x4000  }
0xdd: {  	[sflag:s19] =	ssyncset.done $0x0  }
0xde: {  	[sflag:s19] =	ssyncadd.s32 $0xFFFFC000  }
0xdf: {  	[spmem:s2] =	stream.indirect.scatter.add.f32 [tilespmem:s14], [sflag:$0x3], $0x80, s16, s17, $0xb8;
	[tilespmem:$0x1C800] =	vst v63  }
0xe0: {  	_ =	swait.ge [sflag:s15], $0x4000  }
0xe1: {  	[sflag:s15] =	ssyncset.done $0x0  }
0xe2: {  	[sflag:s15] =	ssyncadd.s32 $0xFFFFC000  }
0xe3: {  	[tilespmem:s14], [sflag:$0x1] =	stream.indirect.gather [hbm4b:s4+s17], $0x80, s20, s17, $0xb8;
	[tilespmem:$0x1C800] =	vst v63  }
0xe4: {  	_ =	swait.ge [sflag:s21], $0x4000  }
0xe5: {  	[sflag:s21] =	ssyncset.done $0x0  }
0xe6: {  	[sflag:s21] =	ssyncadd.s32 $0xFFFFC000  }
0xe7: {  	[spmem:s2] =	stream.indirect.scatter.add.f32 [tilespmem:s18], [sflag:$0x3], $0x80, s22, s17, $0xb8;
	[tilespmem:$0x1C800] =	vst v63  }
0xe8: {  	_ =	swait.ge [sflag:s15], $0x4000  }
0xe9: {  	[sflag:s15] =	ssyncset.done $0x0  }
0xea: {  	[sflag:s15] =	ssyncadd.s32 $0xFFFFC000  }
0xeb: {  	[tilespmem:s18], [sflag:$0x2] =	stream.indirect.gather [hbm4b:s4+s17], $0x80, s23, s17, $0xb8;
	[tilespmem:$0x1C800] =	vst v63  }
0xec: {  	_ =	swait.ge [sflag:s19], $0x4000  }
0xed: {  	[sflag:s19] =	ssyncset.done $0x0  }
0xee: {  	[sflag:s19] =	ssyncadd.s32 $0xFFFFC000  }
0xef: {  	[spmem:s2] =	stream.indirect.scatter.add.f32 [tilespmem:s14], [sflag:$0x3], $0x80, s24, s17, $0xb8;
	[tilespmem:$0x1C800] =	vst v63  }
0xf0: {  	_ =	swait.ge [sflag:s15], $0x4000  }
0xf1: {  	[sflag:s15] =	ssyncset.done $0x0  }
0xf2: {  	[sflag:s15] =	ssyncadd.s32 $0xFFFFC000  }
0xf3: {  	[tilespmem:s14], [sflag:$0x1] =	stream.indirect.gather [hbm4b:s4+s17], $0x80, s26, s17, $0xb8;
	[tilespmem:$0x1C800] =	vst v63  }
0xf4: {  	_ =	swait.ge [sflag:s21], $0x4000  }
0xf5: {  	[sflag:s21] =	ssyncset.done $0x0  }
0xf6: {  	[sflag:s21] =	ssyncadd.s32 $0xFFFFC000  }
0xf7: {  	[spmem:s2] =	stream.indirect.scatter.add.f32 [tilespmem:s18], [sflag:$0x3], $0x80, s28, s17, $0xb8;
	[tilespmem:$0x1C800] =	vst v63  }
0xf8: {  	_ =	swait.ge [sflag:s15], $0x4000  }
0xf9: {  	[sflag:s15] =	ssyncset.done $0x0  }
0xfa: {  	[sflag:s15] =	ssyncadd.s32 $0xFFFFC000  }
0xfb: {  	[tilespmem:s18], [sflag:$0x2] =	stream.indirect.gather [hbm4b:s4+s17], $0x80, s29, s17, $0xb8;
	[tilespmem:$0x1C800] =	vst v63  }
0xfc: {  	_ =	swait.ge [sflag:s19], $0x4000  }
0xfd: {  	[sflag:s19] =	ssyncset.done $0x0  }
0xfe: {  	[sflag:s19] =	ssyncadd.s32 $0xFFFFC000  }
0xff: {  	[spmem:s2] =	stream.indirect.scatter.add.f32 [tilespmem:s14], [sflag:$0x3], $0x80, s30, s17, $0xb8;
	[tilespmem:$0x1C800] =	vst v63  }
0x100: {  	_ =	swait.ge [sflag:s15], $0x4000  }
0x101: {  	[sflag:s15] =	ssyncset.done $0x0  }
0x102: {  	[sflag:s15] =	ssyncadd.s32 $0xFFFFC000  }
0x103: {  	[tilespmem:s14], [sflag:$0x1] =	stream.indirect.gather [hbm4b:s4+s17], $0x80, s31, s17, $0xb8;
	[tilespmem:$0x1C800] =	vst v63  }
0x104: {  	_ =	swait.ge [sflag:s21], $0x4000  }
0x105: {  	[sflag:s21] =	ssyncset.done $0x0  }
0x106: {  	[sflag:s21] =	ssyncadd.s32 $0xFFFFC000  }
0x107: {  	[spmem:s2] =	stream.indirect.scatter.add.f32 [tilespmem:s18], [sflag:$0x3], $0x80, s1, s17, $0xb8;
	[tilespmem:$0x1C800] =	vst v63  }
0x108: {  	_ =	swait.ge [sflag:s15], $0x4000  }
0x109: {  	[sflag:s15] =	ssyncset.done $0x0  }
0x10a: {  	[sflag:s15] =	ssyncadd.s32 $0xFFFFC000  }
0x10b: {  	[tilespmem:s18], [sflag:$0x2] =	stream.indirect.gather [hbm4b:s4+s17], $0x80, s0, s17, $0xb8;
	[tilespmem:$0x1C800] =	vst v63  }
0x10c: {  	_ =	swait.ge [sflag:s19], $0x4000  }
0x10d: {  	[sflag:s19] =	ssyncset.done $0x0  }
0x10e: {  	[sflag:s19] =	ssyncadd.s32 $0xFFFFC000  }
0x10f: {  	[spmem:s2] =	stream.indirect.scatter.add.f32 [tilespmem:s14], [sflag:$0x3], $0x80, s6, s17, $0xb8;
	[tilespmem:$0x1C800] =	vst v63  }
0x110: {  	_ =	swait.ge [sflag:s15], $0x4000  }
0x111: {  	[sflag:s15] =	ssyncset.done $0x0  }
0x112: {  	[sflag:s15] =	ssyncadd.s32 $0xFFFFC000  }
0x113: {  	_ =	swait.ge [sflag:s21], $0x4000  }
0x114: {  	[sflag:s21] =	ssyncset.done $0x0  }
0x115: {  	[sflag:s21] =	ssyncadd.s32 $0xFFFFC000  }
0x116: {  	[spmem:s2] =	stream.indirect.scatter.add.f32 [tilespmem:s18], [sflag:$0x3], $0x80, s7, s17, $0xb8;
	[tilespmem:$0x1C800] =	vst v63  }
0x117: {  	_ =	swait.ge [sflag:s15], $0x4000  }
0x118: {  	[sflag:s15] =	ssyncset.done $0x0  }
0x119: {  	[sflag:s15] =	ssyncadd.s32 $0xFFFFC000  }
0x11a: {  	s10 =	stileid.u32;
	[bflag:$0x0] =	sbarrier.arrive $0xFFFF  }
0x11b: {  	s5 =	sshll.u32 s10, $0x6;
	s11 =	rddreg [dreg:$0x6]  }
0x11c: {  	s5 =	sor.u32 $0x1C03, s5;
	s10 =	rddreg [dreg:$0xc]  }
0x11d: {  	[hbm:s11], [sflag:s5] =	dma.local [spmem:s10], $0x2800  }
0x11e: {  	_ =	swait.ge [sflag:s15], $0x2800  }
0x11f: {  	s8 =	sadd.s32 $0x1, s8;
	s25 =	rddreg [dreg:$0x7]  }
0x120: {  	p0 =	sne.s32 s8, s25  }
.Ltmp2:
0x121: {  	_ = 	snop;
	(pc) =	sbr.rel @p0 .LBB2_1-.Ltmp2, $3  }
0x122: {  	_ =	sdelay $0x1  }
0x123: {  	[sflag:s15] =	ssyncset.done $0x0  }
0x124: {  	[sflag:s15] =	ssyncadd.s32 $0xFFFFD800  }
0x125: {  	_ =	sfence.sel $0x180000  }
0x126: {  	[bflag:$0x0] =	sbarrier.arrive $0xFFFF  }
0x127: {  	_ =	strace $0x9000004A  }
0x128: {  	s0 =	stileid.u32;
	[bflag:$0x2] =	sbarrier.arrive $0xFFFF  }
0x129: {  	p0 =	sne.s32 s0, $0x0;
	s0 =	rddreg [dreg:$0x4]  }
0x12a: {  	s0 =	sadd.s32 @!p0 $0x100000, s0  }
0x12b: {  	[sflag:s0] =	ssyncadd.tile.s32 @!p0 $0x1;
	_ =	shalt  }
.Lfunc_end2:
_tile_overlayer_lowered:
.L_overlay_start_2:
0x12c: {  	(tag) =	ssettag $0x2  }
0x12d: {  	s0 =	rddreg [dreg:$0x0];
	s2 =	stileid.u32  }
0x12e: {  	s1 =	rddreg [dreg:$0x1];
	p0 =	sne.s32 s2, $0x0  }
0x12f: {  	s3 =	rddreg [dreg:$0x2];
	[bflag:$0x3] =	sbarrier.arrive $0xFFFF;
	s2 =	simm.s32 @!p0 $0x1C03  }
0x130: {  	[timem:s3], [sflag:s2] =	dma.local @!p0 [hbm:s0], s1  }
0x131: {  	s0 =	simm.s32 @!p0 $0x3  }
0x132: {  	_ =	swait.ge @!p0 [sflag:s0], s1  }
0x133: {  	s1 =	ssub.s32 @!p0 $0x0, s1;
	[sflag:s0] =	ssyncset.done @!p0 $0x0  }
0x134: {  	[sflag:s0] =	ssyncadd.s32 @!p0 s1  }
0x135: {  	[bflag:$0x3] =	sbarrier.arrive $0xFFFF  }
0x136: {  	_ =	shalt  }

// kernel: kernel.14.cloned.1.call-start
scs
__scs_entry_jumppad:
0x0: {  	(pc) =	sbr.rel $0x88, $3  }
0x1: {  	(tag) =	ssettag $0x0;
	lr =	simm.s32 $0x1  }
0x2: {  	[smem:$0x3F99] =	sst lr;
	_ =	strace $0xD0000000  }
0x3: {  	_ = 	snop  }
0x4: {  	_ = 	snop  }
0x5: {  	_ = 	snop  }
0x6: {  	_ = 	snop  }
0x7: {  	_ = 	snop  }
__scs_overlays_trampoline_lowered:
0x8: {  	[smem:$0x3FA8] =	sst s0  }
0x9: {  	[smem:$0x3FA9] =	sst s1  }
0xa: {  	[smem:$0x3FAA] =	sst s2  }
0xb: {  	[smem:$0x3FAB] =	sst s3  }
0xc: {  	[smem:$0x3FAC] =	sst s4  }
0xd: {  	[smem:$0x3FAD] =	sst s5  }
0xe: {  	[smem:$0x3FAE] =	sst s6  }
0xf: {  	[smem:$0x3FAF] =	sst s7  }
0x10: {  	[smem:$0x3FB0] =	sst s8  }
0x11: {  	[smem:$0x3FB1] =	sst s9;
	s0 =	simm.s32 @!p0 $0x0  }
0x12: {  	s1 =	sld [smem:$0x3F97];
	s0 =	simm.s32 @p0 $0x1  }
0x13: {  	[smem:$0x3FB2] =	sst s0;
	s0 =	simm.s32 @!p1 $0x0  }
0x14: {  	s2 =	sld [smem:$0x3F96];
	s0 =	simm.s32 @p1 $0x1  }
0x15: {  	[smem:$0x3FB3] =	sst s0;
	s0 =	simm.s32 @!p2 $0x0  }
0x16: {  	s3 =	sld [smem:$0x3FDB];
	s0 =	simm.s32 @p2 $0x1  }
0x17: {  	s4 =	simm.s32 $0x1BF5;
	[smem:$0x3FB5] =	sst s0  }
0x18: {  	s0 =	sld [smem:$0x3F98];
	_ =	swait.ge [sflag:s4], $0x0  }
0x19: {  	s7 =	sld [smem:$0x3F99]  }
0x1a: {  	s8 =	sadd.s32 $0xFFFFE003, lr  }
0x1b: {  	s9 =	sadd.s32 $0xFFFFFEF7, lr;
	s5 =	simm.s32 $0xFFFFFFFF;
	p2 =	slt.u32 s8, $0xFFFFF086  }
0x1c: {  	p1 =	slt.u32 s9, $0xF7A;
	s5 =	simm.s32 @!p2 $0x0  }
0x1d: {  	s5 =	simm.s32 @p1 $0x1;
	p0 =	seq.s32 s7, s2  }
0x1e: {  	s7 =	smul.u32 @!p0 $0xF7A, s2;
	p2 =	seq.s32 @!p0 s5, $0x0  }
0x1f: {  	s9 =	smul.u32 $0xF7A, s1;
	s8 =	simm.s32 @!p0 $0x1BF5;
	p2 =	por !p2, p0  }
0x20: {  	[sflag:s8] =	ssyncset.s32 @!p0 $0xFFFFF086;
	s6 =	sadd.s32 @!p0 s3, s7;
	s7 =	simm.s32 @!p0 $0x108  }
0x21: {  	s3 =	sadd.s32 s3, s9;
	s6 =	sadd.s32 @!p0 $0x88, s6;
	s7 =	simm.s32 @p2 $0x1082  }
0x22: {  	[simem:s7], [sflag:s8] =	dma.local @!p0 [hbm:s6], $0xF7A  }
0x23: {  	s9 =	sor.u32 $0xD0000000, s2;
	s6 =	simm.s32 $0x108;
	_ =	swait.ge @!p0 [sflag:s8], $0x0  }
0x24: {  	s3 =	sadd.s32 $0x88, s3;
	s6 =	simm.s32 @!p1 $0x1082;
	[sflag:s4] =	ssyncset.s32 $0xFFFFF086  }
0x25: {  	[simem:s6], [sflag:s4] =	dma.local [hbm:s3], $0xF7A  }
0x26: {  	[smem:$0x3F99] =	sst s1;
	(tag) =	ssettag s2;
	_ =	strace s9  }
0x27: {  	s1 =	sld [smem:$0x3FA9]  }
0x28: {  	s2 =	sld [smem:$0x3FAA]  }
0x29: {  	s4 =	sld [smem:$0x3FAC]  }
0x2a: {  	p0 =	seq.s32 s5, $0x0;
	s5 =	sld [smem:$0x3FAD]  }
0x2b: {  	s6 =	sld [smem:$0x3FAE]  }
0x2c: {  	s7 =	sld [smem:$0x3FAF]  }
0x2d: {  	s3 =	simm.s32 $0x108;
	s8 =	sld [smem:$0x3FB0]  }
0x2e: {  	s3 =	simm.s32 @!p0 $0x1082;
	s9 =	sld [smem:$0x3FB1]  }
0x2f: {  	lr =	sadd.s32 s0, s3;
	s0 =	sld [smem:$0x3FA8]  }
0x30: {  	s3 =	sld [smem:$0x3FAB]  }
0x31: {  	[smem:$0x3FB4] =	sst s10  }
0x32: {  	s10 =	sld [smem:$0x3FB2];
	_ =	sdelay $0x3  }
0x33: {  	p0 =	seq.s32 s10, $0x1;
	s10 =	sld [smem:$0x3FB4];
	_ =	sdelay $0x3  }
0x34: {  	[smem:$0x3FB4] =	sst s10  }
0x35: {  	s10 =	sld [smem:$0x3FB3];
	_ =	sdelay $0x3  }
0x36: {  	p1 =	seq.s32 s10, $0x1;
	s10 =	sld [smem:$0x3FB4];
	_ =	sdelay $0x3  }
0x37: {  	[smem:$0x3FB4] =	sst s10  }
0x38: {  	s10 =	sld [smem:$0x3FB5]  }
0x39: {  	_ = 	snop;
	(pc) =	sbr.ind lr, $3  }
0x3a: {  	_ = 	snop  }
0x3b: {  	_ = 	snop  }
0x3c: {  	p2 =	seq.s32 s10, $0x1;
	s10 =	sld [smem:$0x3FB4]  }
0x3d: {  	_ =	shalt  }
0x3e: {  	_ =	shalt  }
0x3f: {  	_ =	shalt  }
0x40: {  	_ =	shalt  }
0x41: {  	_ =	shalt  }
0x42: {  	_ =	shalt  }
0x43: {  	_ =	shalt  }
0x44: {  	_ =	shalt  }
0x45: {  	_ =	shalt  }
0x46: {  	_ =	shalt  }
0x47: {  	_ =	shalt  }
0x48: {  	_ =	shalt  }
0x49: {  	_ =	shalt  }
0x4a: {  	_ =	shalt  }
0x4b: {  	_ =	shalt  }
0x4c: {  	_ =	shalt  }
0x4d: {  	_ =	shalt  }
0x4e: {  	_ =	shalt  }
0x4f: {  	_ =	shalt  }
0x50: {  	_ =	shalt  }
0x51: {  	_ =	shalt  }
0x52: {  	_ =	shalt  }
0x53: {  	_ =	shalt  }
0x54: {  	_ =	shalt  }
0x55: {  	_ =	shalt  }
0x56: {  	_ =	shalt  }
0x57: {  	_ =	shalt  }
0x58: {  	_ =	shalt  }
0x59: {  	_ =	shalt  }
0x5a: {  	_ =	shalt  }
0x5b: {  	_ =	shalt  }
0x5c: {  	_ =	shalt  }
0x5d: {  	_ =	shalt  }
0x5e: {  	_ =	shalt  }
0x5f: {  	_ =	shalt  }
0x60: {  	_ =	shalt  }
0x61: {  	_ =	shalt  }
0x62: {  	_ =	shalt  }
0x63: {  	_ =	shalt  }
0x64: {  	_ =	shalt  }
0x65: {  	_ =	shalt  }
0x66: {  	_ =	shalt  }
0x67: {  	_ =	shalt  }
0x68: {  	_ =	shalt  }
0x69: {  	_ =	shalt  }
0x6a: {  	_ =	shalt  }
0x6b: {  	_ =	shalt  }
0x6c: {  	_ =	shalt  }
0x6d: {  	_ =	shalt  }
0x6e: {  	_ =	shalt  }
0x6f: {  	_ =	shalt  }
0x70: {  	_ =	shalt  }
0x71: {  	_ =	shalt  }
0x72: {  	_ =	shalt  }
0x73: {  	_ =	shalt  }
0x74: {  	_ =	shalt  }
0x75: {  	_ =	shalt  }
0x76: {  	_ =	shalt  }
0x77: {  	_ =	shalt  }
0x78: {  	_ =	shalt  }
0x79: {  	_ =	shalt  }
0x7a: {  	_ =	shalt  }
0x7b: {  	_ =	shalt  }
0x7c: {  	_ =	shalt  }
0x7d: {  	_ =	shalt  }
0x7e: {  	_ =	shalt  }
0x7f: {  	_ =	shalt  }
0x80: {  	_ =	shalt  }
0x81: {  	_ =	shalt  }
0x82: {  	_ =	shalt  }
0x83: {  	_ =	shalt  }
0x84: {  	_ =	shalt  }
0x85: {  	_ =	shalt  }
0x86: {  	_ =	shalt  }
0x87: {  	_ =	shalt  }
.Lfunc_end0:
.L_simem_size_0:
called_computation.2_lowered:
.L_overlay_start_0:
0x88: {  	s2 =	sld [smem:$0x3FD9]  }
0x89: {  	s3 =	sld [smem:$0x3FFE];
	_ =	sdelay $0x1  }
0x8a: {  	s1 =	srdreg.scid  }
0x8b: {  	s0 =	sand.u32 $0x1, s1  }
0x8c: {  	s14 =	sshll.u32 s0, $0xA;
	s2 =	sadd.s32 s3, s2  }
0x8d: {  	s2 =	sadd.s32 s2, s14  }
0x8e: {  	[smem:$0x3FC0] =	sst s2  }
0x8f: {  	_ = 	snop  }
0x90: {  	s2 =	sld [smem:$0x3FD0];
	_ =	sdelay $0x2  }
0x91: {  	s15 =	simm.s32 $0xA;
	s4 =	simm.s32 $0x10  }
0x92: {  	[smem:s4], [sflag:s15] =	dma.local [hbm:s2], $0x1  }
0x93: {  	_ =	swait.eq [sflag:s15], $0x1  }
0x94: {  	[sflag:s15] =	ssyncset.done $0x0  }
0x95: {  	s16 =	sld [smem:$0x10];
	[sflag:s15] =	ssyncadd.s32 $0xFFFFFFFF  }
0x96: {  	s17 =	sld [smem:$0x11];
	(tm) =	ssettm $0x1  }
0x97: {  	s18 =	sld [smem:$0x3FFB];
	_ =	sdelay $0x3  }
0x98: {  	_ =	strace s18  }
0x99: {  	s4 =	sld [smem:$0x3FFC];
	_ =	sdelay $0x3  }
0x9a: {  	_ =	strace s4  }
0x9b: {  	s4 =	sld [smem:$0x3FFD];
	_ =	sdelay $0x3  }
0x9c: {  	_ =	strace s4  }
0x9d: {  	_ =	strace $0x8FFFFFFF  }
0x9e: {  	s19 =	sld [smem:$0x3FDB];
	_ =	sdelay $0x1  }
0x9f: {  	s5 =	simm.s32 $_scs_section_size  }
0xa0: {  	s6 =	simm.s32 $_size__tile_overlayer_lowered;
	s7 =	simm.s32 $_tile_overlayer_lowered  }
0xa1: {  	s22 =	simm.s32 $0x1BFF;
	s21 =	sshll.u32 s7, $0x1;
	s4 =	sadd.s32 s5, s19  }
0xa2: {  	s8 =	simm.s32 $0x0;
	s20 =	sshll.u32 s6, $0x1;
	s6 =	sadd.s32 s21, s4  }
0xa3: {  	[timem:s8], [sflag:s22] =	dma.local [hbm:s6], s20  }
0xa4: {  	_ =	swait.ge [sflag:s22], s20  }
0xa5: {  	s5 =	ssub.s32 $0x0, s20;
	[sflag:s22] =	ssyncset.done $0x0  }
0xa6: {  	[sflag:s22] =	ssyncadd.s32 s5;
	_ =	sdelay $0x1  }
0xa7: {  	s23 =	simm.s32 $0x1B8B  }
0xa8: {  	_ =	swait.ge [sflag:s23], $0x1  }
0xa9: {  	[sflag:s23] =	ssyncset.done $0x0  }
0xaa: {  	s25 =	simm.s32 $0x1B8E;
	s24 =	sld [smem:$0x3FFE];
	[sflag:s23] =	ssyncadd.s32 $0xFFFFFFFF  }
0xab: {  	s26 =	simm.s32 $execute0_lowered;
	[smem:$0x3FD2] =	sst s25  }
0xac: {  	s6 =	sshll.u32 s26, $0x1;
	_ =	strace $0x8000004C;
	[dreg:$0x1] =	wrdreg $0xFFFFFFFF  }
0xad: {  	s28 =	simm.s32 $_size_execute0_lowered;
	s4 =	sadd.s32 s4, s6;
	[dreg:$0x0] =	wrdreg $0x0  }
0xae: {  	s6 =	sshll.u32 s28, $0x1;
	[dreg:$0x2] =	wrdreg s4  }
0xaf: {  	[dreg:$0x3] =	wrdreg s6  }
0xb0: {  	[dreg:$0x4] =	wrdreg $0xC0  }
0xb1: {  	_ =	task [dreg:s8], $0x5FFFF  }
0xb2: {  	[dreg:$0x1] =	wrdreg $0xFFFFFFFF  }
0xb3: {  	[dreg:$0x0] =	wrdreg $0x60  }
0xb4: {  	[dreg:$0x2] =	wrdreg s24  }
0xb5: {  	[dreg:$0x3] =	wrdreg s16  }
0xb6: {  	[dreg:$0x4] =	wrdreg s17  }
0xb7: {  	[dreg:$0x5] =	wrdreg $0x88000  }
0xb8: {  	[dreg:$0x6] =	wrdreg $0x9  }
0xb9: {  	_ =	task.clear_ibuf [dreg:s8], $0x7FFFF;
	_ =	strace $0x9000004C  }
0xba: {  	s29 =	simm.s32 $0x9;
	_ =	strace $0x8000004E  }
0xbb: {  	_ =	swait.ge [sflag:s29], $0x1  }
0xbc: {  	[sflag:s29] =	ssyncadd.s32 $0xFFFFFFFF  }
0xbd: {  	_ =	strace $0x9000004E  }
0xbe: {  	_ =	sfence  }
0xbf: {  	s30 =	sld [smem:$0x0];
	_ =	sdelay $0x2  }
0xc0: {  	s31 =	sshll.u32 s1, $0xD;
	s1 =	sshrl.u32 s1, $0x2  }
0xc1: {  	s3 =	sand.u32 $0x4000, s31;
	s1 =	sadd.s32 s1, s30  }
0xc2: {  	s0 =	sor.u32 s3, s0;
	s1 =	sshll.u32 s1, $0x11  }
0xc3: {  	s0 =	sor.u32 s1, s0  }
0xc4: {  	s0 =	sadd.s32 $0x8F2B, s0  }
0xc5: {  	[sflag:s0] =	ssyncadd.remote.s32 $0x1  }
0xc6: {  	_ =	sfence.sel $0xFFFF  }
0xc7: {  	[dreg:$0x0] =	wrdreg $0xFFFFFFFF;
	(pc) =	sbr.abs _section_cstart, $3  }
0xc8: {  	[dreg:$0x1] =	wrdreg $0xFFFFFFFF  }
0xc9: {  	_ =	task.clear_ibuf [dreg:s8], $0x2FFFF;
	_ =	strace $0x9FFFFFFF  }
0xca: {  	(tm) =	ssettm $0x7FFFFFFF  }
0xcb: {  	_ =	shalt  }
tec
execute0_lowered:
.L_overlay_start_1:
0x0: {  	(tag) =	ssettag $0x1  }
0x1: {  	s0 =	rddreg [dreg:$0x0]  }
0x2: {  	s1 =	rddreg [dreg:$0x1];
	s2 =	srdreg.scid  }
0x3: {  	s6 =	rddreg [dreg:$0x2];
	s12 =	stileid.u32  }
0x4: {  	s3 =	simm.s32 $0x0;
	s14 =	simm.s32 $0x800;
	s15 =	simm.s32 $0x3  }
0x5: {  	s16 =	simm.s32 $0x400;
	s17 =	simm.s32 $0x80;
	s18 =	simm.s32 $0x4800  }
0x6: {  	s19 =	simm.s32 $0x1;
	s28 =	simm.s32 $0x580;
	s7 =	smul.u32 $0x14000, s12  }
0x7: {  	s29 =	simm.s32 $0x280;
	s30 =	simm.s32 $0x600;
	s9 =	smul.u32 $0x50000, s12  }
0x8: {  	s5 =	sand.u32 $0x1, s2;
	s2 =	rddreg [dreg:$0x3];
	s26 =	smul.u32 $0x2800, s12  }
0x9: {  	s31 =	simm.s32 $0x300;
	[smem:$0x7FF] =	sst s3;
	s4 =	smul.u32 $0x140000, s5  }
0xa: {  	_ =	strace $0x8000004D;
	s20 =	ssub.s32 $0x2, s5;
	s11 =	smul.u32 $0x28000, s5  }
0xb: {  	s10 =	sshrl.u32 s20, $0x1;
	s9 =	sshrl.u32 s9, $0x2;
	s4 =	sadd.s32 s7, s4  }
0xc: {  	s21 =	sadd.s32 s9, s2;
	s25 =	sadd.s32 s26, s11;
	s8 =	sshrl.u32 s4, $0x3  }
0xd: {  	s4 =	sadd.s32 $0x3000, s0;
	s23 =	sadd.s32 $0x4000, s21;
	[dreg:$0x5] =	wrdreg s21  }
0xe: {  	s24 =	sadd.s32 $0x8000, s21;
	s26 =	sadd.s32 $0xC000, s21;
	[dreg:$0x8] =	wrdreg s23  }
0xf: {  	s5 =	sadd.s32 $0x10000, s21;
	s21 =	simm.s32 $0x2;
	[dreg:$0x9] =	wrdreg s24  }
0x10: {  	s0 =	sadd.s32 s8, s0;
	s8 =	ssub.s32 s20, s10;
	[dreg:$0xa] =	wrdreg s26  }
0x11: {  	s10 =	sadd.s32 s7, s2;
	[dreg:$0xb] =	wrdreg s5;
	s7 =	sshrl.u32 s25, $0x3  }
0x12: {  	s20 =	simm.s32 $0x100;
	s23 =	simm.s32 $0x180;
	s24 =	simm.s32 $0x500  }
0x13: {  	s26 =	simm.s32 $0x200;
	s0 =	sadd.s32 $0x2B000, s0;
	s22 =	smax.u32 s8, $0x1  }
0x14: {  	s12 =	sadd.s32 s7, s6;
	s13 =	sadd.s32 s7, s1;
	s1 =	simm.s32 $0x680  }
0x15: {  	s6 =	simm.s32 $0x700;
	s7 =	simm.s32 $0x780;
	[dreg:$0x6] =	wrdreg s0  }
0x16: {  	s8 =	simm.s32 $0x0;
	[dreg:$0x7] =	wrdreg s22;
	s0 =	sshrl.u32 s10, $0x3  }
0x17: {  	v0 =	vimm.f32 $0.0e+00;
	s22 =	simm.s32 $0x480;
	[dreg:$0xc] =	wrdreg s0;
	s0 =	simm.s32 $0x380  }
.LBB2_1:
0x18: {  	s9 =	simm.s32 $0x0;
	s10 =	simm.s32 $0x200  }
.LBB2_2:
0x19: {  	p0 =	sne.s32 s10, $0xFE00;
	[tilespmem:s9+$0x870] =	vst v0  }
0x1a: {  	[tilespmem:s9+$0x800] =	vst v0  }
0x1b: {  	[tilespmem:s9+$0x810] =	vst v0  }
.Ltmp0:
0x1c: {  	[tilespmem:s9+$0x820] =	vst v0;
	(pc) =	sbr.rel @p0 .LBB2_2-.Ltmp0, $4  }
0x1d: {  	[tilespmem:s9+$0x830] =	vst v0  }
0x1e: {  	[tilespmem:s9+$0x840] =	vst v0  }
0x1f: {  	[tilespmem:s9+$0x850] =	vst v0  }
0x20: {  	[tilespmem:s9+$0x860] =	vst v0;
	s9 =	sshra.s32 s10, $0x2;
	s10 =	sadd.s32 $0x200, s10  }
0x21: {  	[tilespmem:s9+$0x870] =	vst v0  }
0x22: {  	[tilespmem:s9+$0x800] =	vst v0  }
0x23: {  	[tilespmem:s9+$0x810] =	vst v0  }
0x24: {  	[tilespmem:s9+$0x820] =	vst v0  }
0x25: {  	[tilespmem:s9+$0x830] =	vst v0  }
0x26: {  	[tilespmem:s9+$0x840] =	vst v0  }
0x27: {  	[tilespmem:s9+$0x850] =	vst v0  }
0x28: {  	[tilespmem:s9+$0x860] =	vst v0;
	s5 =	rddreg [dreg:$0x5]  }
0x29: {  	[spmem:s5] =	stream.linear.scatter [tilespmem:s14], [sflag:$0x3], $0x4000, $0x38;
	[tilespmem:$0x1C800] =	vst v63  }
0x2a: {  	_ =	swait.ge [sflag:s15], $0x4000  }
0x2b: {  	[sflag:s15] =	ssyncset.done $0x0  }
0x2c: {  	s11 =	rddreg [dreg:$0x8];
	[sflag:s15] =	ssyncadd.s32 $0xFFFFC000  }
0x2d: {  	[spmem:s11] =	stream.linear.scatter [tilespmem:s14], [sflag:$0x3], $0x4000, $0x38;
	[tilespmem:$0x1C800] =	vst v63  }
0x2e: {  	_ =	swait.ge [sflag:s15], $0x4000  }
0x2f: {  	[sflag:s15] =	ssyncset.done $0x0  }
0x30: {  	s25 =	rddreg [dreg:$0x9];
	[sflag:s15] =	ssyncadd.s32 $0xFFFFC000  }
0x31: {  	[spmem:s25] =	stream.linear.scatter [tilespmem:s14], [sflag:$0x3], $0x4000, $0x38;
	[tilespmem:$0x1C800] =	vst v63  }
0x32: {  	_ =	swait.ge [sflag:s15], $0x4000  }
0x33: {  	[sflag:s15] =	ssyncset.done $0x0  }
0x34: {  	s9 =	rddreg [dreg:$0xa];
	[sflag:s15] =	ssyncadd.s32 $0xFFFFC000  }
0x35: {  	[spmem:s9] =	stream.linear.scatter [tilespmem:s14], [sflag:$0x3], $0x4000, $0x38;
	[tilespmem:$0x1C800] =	vst v63  }
0x36: {  	_ =	swait.ge [sflag:s15], $0x4000  }
0x37: {  	[sflag:s15] =	ssyncset.done $0x0  }
0x38: {  	s10 =	rddreg [dreg:$0xb];
	[sflag:s15] =	ssyncadd.s32 $0xFFFFC000  }
0x39: {  	[spmem:s10] =	stream.linear.scatter [tilespmem:s14], [sflag:$0x3], $0x4000, $0x38;
	[tilespmem:$0x1C800] =	vst v63  }
0x3a: {  	_ =	swait.ge [sflag:s15], $0x4000  }
0x3b: {  	[sflag:s15] =	ssyncset.done $0x0  }
0x3c: {  	[sflag:s15] =	ssyncadd.s32 $0xFFFFC000  }
0x3d: {  	s11 =	sadd.s32 $0x0, s13;
	[bflag:$0x0] =	sbarrier.arrive $0xFFFF  }
0x3e: {  	[tilespmem:s3], [sflag:$0x3] =	stream.linear.gather [hbm4b:s11+s3], $0x400, $0x38;
	[tilespmem:$0x1C800] =	vst v63  }
0x3f: {  	_ =	swait.ge [sflag:s15], $0x400  }
0x40: {  	[sflag:s15] =	ssyncset.done $0x0  }
0x41: {  	s25 =	sadd.s32 $0x0, s12;
	[sflag:s15] =	ssyncadd.s32 $0xFFFFFC00  }
0x42: {  	[tilespmem:s16], [sflag:$0x3] =	stream.linear.gather [hbm4b:s25+s3], $0x400, $0x38;
	[tilespmem:$0x1C800] =	vst v63  }
0x43: {  	_ =	swait.ge [sflag:s15], $0x400  }
0x44: {  	[sflag:s15] =	ssyncset.done $0x0  }
0x45: {  	[sflag:s15] =	ssyncadd.s32 $0xFFFFFC00  }
0x46: {  	[tilespmem:s14], [sflag:$0x1] =	stream.indirect.gather [hbm4b:s4+s17], $0x80, s3, s17, $0xb8;
	[tilespmem:$0x1C800] =	vst v63  }
0x47: {  	_ = 	snop  }
0x48: {  	[tilespmem:s18], [sflag:$0x2] =	stream.indirect.gather [hbm4b:s4+s17], $0x80, s17, s17, $0xb8;
	[tilespmem:$0x1C800] =	vst v63  }
0x49: {  	_ =	swait.ge [sflag:s19], $0x4000  }
0x4a: {  	[sflag:s19] =	ssyncset.done $0x0  }
0x4b: {  	[sflag:s19] =	ssyncadd.s32 $0xFFFFC000  }
0x4c: {  	[spmem:s2] =	stream.indirect.scatter.add.f32 [tilespmem:s14], [sflag:$0x3], $0x80, s16, s17, $0xb8;
	[tilespmem:$0x1C800] =	vst v63  }
0x4d: {  	_ =	swait.ge [sflag:s15], $0x4000  }
0x4e: {  	[sflag:s15] =	ssyncset.done $0x0  }
0x4f: {  	[sflag:s15] =	ssyncadd.s32 $0xFFFFC000  }
0x50: {  	[tilespmem:s14], [sflag:$0x1] =	stream.indirect.gather [hbm4b:s4+s17], $0x80, s20, s17, $0xb8;
	[tilespmem:$0x1C800] =	vst v63  }
0x51: {  	_ =	swait.ge [sflag:s21], $0x4000  }
0x52: {  	[sflag:s21] =	ssyncset.done $0x0  }
0x53: {  	[sflag:s21] =	ssyncadd.s32 $0xFFFFC000  }
0x54: {  	[spmem:s2] =	stream.indirect.scatter.add.f32 [tilespmem:s18], [sflag:$0x3], $0x80, s22, s17, $0xb8;
	[tilespmem:$0x1C800] =	vst v63  }
0x55: {  	_ =	swait.ge [sflag:s15], $0x4000  }
0x56: {  	[sflag:s15] =	ssyncset.done $0x0  }
0x57: {  	[sflag:s15] =	ssyncadd.s32 $0xFFFFC000  }
0x58: {  	[tilespmem:s18], [sflag:$0x2] =	stream.indirect.gather [hbm4b:s4+s17], $0x80, s23, s17, $0xb8;
	[tilespmem:$0x1C800] =	vst v63  }
0x59: {  	_ =	swait.ge [sflag:s19], $0x4000  }
0x5a: {  	[sflag:s19] =	ssyncset.done $0x0  }
0x5b: {  	[sflag:s19] =	ssyncadd.s32 $0xFFFFC000  }
0x5c: {  	[spmem:s2] =	stream.indirect.scatter.add.f32 [tilespmem:s14], [sflag:$0x3], $0x80, s24, s17, $0xb8;
	[tilespmem:$0x1C800] =	vst v63  }
0x5d: {  	_ =	swait.ge [sflag:s15], $0x4000  }
0x5e: {  	[sflag:s15] =	ssyncset.done $0x0  }
0x5f: {  	[sflag:s15] =	ssyncadd.s32 $0xFFFFC000  }
0x60: {  	[tilespmem:s14], [sflag:$0x1] =	stream.indirect.gather [hbm4b:s4+s17], $0x80, s26, s17, $0xb8;
	[tilespmem:$0x1C800] =	vst v63  }
0x61: {  	_ =	swait.ge [sflag:s21], $0x4000  }
0x62: {  	[sflag:s21] =	ssyncset.done $0x0  }
0x63: {  	[sflag:s21] =	ssyncadd.s32 $0xFFFFC000  }
0x64: {  	[spmem:s2] =	stream.indirect.scatter.add.f32 [tilespmem:s18], [sflag:$0x3], $0x80, s28, s17, $0xb8;
	[tilespmem:$0x1C800] =	vst v63  }
0x65: {  	_ =	swait.ge [sflag:s15], $0x4000  }
0x66: {  	[sflag:s15] =	ssyncset.done $0x0  }
0x67: {  	[sflag:s15] =	ssyncadd.s32 $0xFFFFC000  }
0x68: {  	[tilespmem:s18], [sflag:$0x2] =	stream.indirect.gather [hbm4b:s4+s17], $0x80, s29, s17, $0xb8;
	[tilespmem:$0x1C800] =	vst v63  }
0x69: {  	_ =	swait.ge [sflag:s19], $0x4000  }
0x6a: {  	[sflag:s19] =	ssyncset.done $0x0  }
0x6b: {  	[sflag:s19] =	ssyncadd.s32 $0xFFFFC000  }
0x6c: {  	[spmem:s2] =	stream.indirect.scatter.add.f32 [tilespmem:s14], [sflag:$0x3], $0x80, s30, s17, $0xb8;
	[tilespmem:$0x1C800] =	vst v63  }
0x6d: {  	_ =	swait.ge [sflag:s15], $0x4000  }
0x6e: {  	[sflag:s15] =	ssyncset.done $0x0  }
0x6f: {  	[sflag:s15] =	ssyncadd.s32 $0xFFFFC000  }
0x70: {  	[tilespmem:s14], [sflag:$0x1] =	stream.indirect.gather [hbm4b:s4+s17], $0x80, s31, s17, $0xb8;
	[tilespmem:$0x1C800] =	vst v63  }
0x71: {  	_ =	swait.ge [sflag:s21], $0x4000  }
0x72: {  	[sflag:s21] =	ssyncset.done $0x0  }
0x73: {  	[sflag:s21] =	ssyncadd.s32 $0xFFFFC000  }
0x74: {  	[spmem:s2] =	stream.indirect.scatter.add.f32 [tilespmem:s18], [sflag:$0x3], $0x80, s1, s17, $0xb8;
	[tilespmem:$0x1C800] =	vst v63  }
0x75: {  	_ =	swait.ge [sflag:s15], $0x4000  }
0x76: {  	[sflag:s15] =	ssyncset.done $0x0  }
0x77: {  	[sflag:s15] =	ssyncadd.s32 $0xFFFFC000  }
0x78: {  	[tilespmem:s18], [sflag:$0x2] =	stream.indirect.gather [hbm4b:s4+s17], $0x80, s0, s17, $0xb8;
	[tilespmem:$0x1C800] =	vst v63  }
0x79: {  	_ =	swait.ge [sflag:s19], $0x4000  }
0x7a: {  	[sflag:s19] =	ssyncset.done $0x0  }
0x7b: {  	[sflag:s19] =	ssyncadd.s32 $0xFFFFC000  }
0x7c: {  	[spmem:s2] =	stream.indirect.scatter.add.f32 [tilespmem:s14], [sflag:$0x3], $0x80, s6, s17, $0xb8;
	[tilespmem:$0x1C800] =	vst v63  }
0x7d: {  	_ =	swait.ge [sflag:s15], $0x4000  }
0x7e: {  	[sflag:s15] =	ssyncset.done $0x0  }
0x7f: {  	[sflag:s15] =	ssyncadd.s32 $0xFFFFC000  }
0x80: {  	_ =	swait.ge [sflag:s21], $0x4000  }
0x81: {  	[sflag:s21] =	ssyncset.done $0x0  }
0x82: {  	[sflag:s21] =	ssyncadd.s32 $0xFFFFC000  }
0x83: {  	[spmem:s2] =	stream.indirect.scatter.add.f32 [tilespmem:s18], [sflag:$0x3], $0x80, s7, s17, $0xb8;
	[tilespmem:$0x1C800] =	vst v63  }
0x84: {  	_ =	swait.ge [sflag:s15], $0x4000  }
0x85: {  	s9 =	simm.s32 $0x80;
	s10 =	simm.s32 $0x100;
	[sflag:s15] =	ssyncset.done $0x0  }
.LBB2_4:
0x86: {  	s25 =	sadd.s32 s9, s13  }
0x87: {  	[sflag:s15] =	ssyncadd.s32 $0xFFFFC000;
	s5 =	smov.u32 s10;
	s11 =	sadd.s32 $0x80, s10  }
0x88: {  	[tilespmem:s3], [sflag:$0x3] =	stream.linear.gather [hbm4b:s25+s3], $0x400, $0x38;
	[tilespmem:$0x1C800] =	vst v63  }
0x89: {  	p0 =	sne.s32 s10, $0x480;
	_ =	swait.ge [sflag:s15], $0x400  }
0x8a: {  	[sflag:s15] =	ssyncset.done $0x0  }
0x8b: {  	s10 =	sadd.s32 s9, s12;
	s9 =	smov.u32 s5;
	[sflag:s15] =	ssyncadd.s32 $0xFFFFFC00  }
0x8c: {  	[tilespmem:s16], [sflag:$0x3] =	stream.linear.gather [hbm4b:s10+s3], $0x400, $0x38;
	[tilespmem:$0x1C800] =	vst v63  }
0x8d: {  	_ =	swait.ge [sflag:s15], $0x400  }
0x8e: {  	[sflag:s15] =	ssyncset.done $0x0  }
0x8f: {  	[sflag:s15] =	ssyncadd.s32 $0xFFFFFC00  }
0x90: {  	[tilespmem:s14], [sflag:$0x1] =	stream.indirect.gather [hbm4b:s4+s17], $0x80, s3, s17, $0xb8;
	[tilespmem:$0x1C800] =	vst v63  }
0x91: {  	_ = 	snop  }
0x92: {  	[tilespmem:s18], [sflag:$0x2] =	stream.indirect.gather [hbm4b:s4+s17], $0x80, s17, s17, $0xb8;
	[tilespmem:$0x1C800] =	vst v63  }
0x93: {  	_ =	swait.ge [sflag:s19], $0x4000  }
0x94: {  	[sflag:s19] =	ssyncset.done $0x0  }
0x95: {  	[sflag:s19] =	ssyncadd.s32 $0xFFFFC000  }
0x96: {  	[spmem:s2] =	stream.indirect.scatter.add.f32 [tilespmem:s14], [sflag:$0x3], $0x80, s16, s17, $0xb8;
	[tilespmem:$0x1C800] =	vst v63  }
0x97: {  	_ =	swait.ge [sflag:s15], $0x4000  }
0x98: {  	[sflag:s15] =	ssyncset.done $0x0  }
0x99: {  	[sflag:s15] =	ssyncadd.s32 $0xFFFFC000  }
0x9a: {  	[tilespmem:s14], [sflag:$0x1] =	stream.indirect.gather [hbm4b:s4+s17], $0x80, s20, s17, $0xb8;
	[tilespmem:$0x1C800] =	vst v63  }
0x9b: {  	_ =	swait.ge [sflag:s21], $0x4000  }
0x9c: {  	[sflag:s21] =	ssyncset.done $0x0  }
0x9d: {  	[sflag:s21] =	ssyncadd.s32 $0xFFFFC000  }
0x9e: {  	[spmem:s2] =	stream.indirect.scatter.add.f32 [tilespmem:s18], [sflag:$0x3], $0x80, s22, s17, $0xb8;
	[tilespmem:$0x1C800] =	vst v63  }
0x9f: {  	_ =	swait.ge [sflag:s15], $0x4000  }
0xa0: {  	[sflag:s15] =	ssyncset.done $0x0  }
0xa1: {  	[sflag:s15] =	ssyncadd.s32 $0xFFFFC000  }
0xa2: {  	[tilespmem:s18], [sflag:$0x2] =	stream.indirect.gather [hbm4b:s4+s17], $0x80, s23, s17, $0xb8;
	[tilespmem:$0x1C800] =	vst v63  }
0xa3: {  	_ =	swait.ge [sflag:s19], $0x4000  }
0xa4: {  	[sflag:s19] =	ssyncset.done $0x0  }
0xa5: {  	[sflag:s19] =	ssyncadd.s32 $0xFFFFC000  }
0xa6: {  	[spmem:s2] =	stream.indirect.scatter.add.f32 [tilespmem:s14], [sflag:$0x3], $0x80, s24, s17, $0xb8;
	[tilespmem:$0x1C800] =	vst v63  }
0xa7: {  	_ =	swait.ge [sflag:s15], $0x4000  }
0xa8: {  	[sflag:s15] =	ssyncset.done $0x0  }
0xa9: {  	[sflag:s15] =	ssyncadd.s32 $0xFFFFC000  }
0xaa: {  	[tilespmem:s14], [sflag:$0x1] =	stream.indirect.gather [hbm4b:s4+s17], $0x80, s26, s17, $0xb8;
	[tilespmem:$0x1C800] =	vst v63  }
0xab: {  	_ =	swait.ge [sflag:s21], $0x4000  }
0xac: {  	[sflag:s21] =	ssyncset.done $0x0  }
0xad: {  	[sflag:s21] =	ssyncadd.s32 $0xFFFFC000  }
0xae: {  	[spmem:s2] =	stream.indirect.scatter.add.f32 [tilespmem:s18], [sflag:$0x3], $0x80, s28, s17, $0xb8;
	[tilespmem:$0x1C800] =	vst v63  }
0xaf: {  	_ =	swait.ge [sflag:s15], $0x4000  }
0xb0: {  	[sflag:s15] =	ssyncset.done $0x0  }
0xb1: {  	[sflag:s15] =	ssyncadd.s32 $0xFFFFC000  }
0xb2: {  	[tilespmem:s18], [sflag:$0x2] =	stream.indirect.gather [hbm4b:s4+s17], $0x80, s29, s17, $0xb8;
	[tilespmem:$0x1C800] =	vst v63  }
0xb3: {  	_ =	swait.ge [sflag:s19], $0x4000  }
0xb4: {  	[sflag:s19] =	ssyncset.done $0x0  }
0xb5: {  	[sflag:s19] =	ssyncadd.s32 $0xFFFFC000  }
0xb6: {  	[spmem:s2] =	stream.indirect.scatter.add.f32 [tilespmem:s14], [sflag:$0x3], $0x80, s30, s17, $0xb8;
	[tilespmem:$0x1C800] =	vst v63  }
0xb7: {  	_ =	swait.ge [sflag:s15], $0x4000  }
0xb8: {  	[sflag:s15] =	ssyncset.done $0x0  }
0xb9: {  	[sflag:s15] =	ssyncadd.s32 $0xFFFFC000  }
0xba: {  	[tilespmem:s14], [sflag:$0x1] =	stream.indirect.gather [hbm4b:s4+s17], $0x80, s31, s17, $0xb8;
	[tilespmem:$0x1C800] =	vst v63  }
0xbb: {  	_ =	swait.ge [sflag:s21], $0x4000  }
0xbc: {  	[sflag:s21] =	ssyncset.done $0x0  }
0xbd: {  	[sflag:s21] =	ssyncadd.s32 $0xFFFFC000  }
0xbe: {  	[spmem:s2] =	stream.indirect.scatter.add.f32 [tilespmem:s18], [sflag:$0x3], $0x80, s1, s17, $0xb8;
	[tilespmem:$0x1C800] =	vst v63  }
0xbf: {  	_ =	swait.ge [sflag:s15], $0x4000  }
0xc0: {  	[sflag:s15] =	ssyncset.done $0x0  }
0xc1: {  	[sflag:s15] =	ssyncadd.s32 $0xFFFFC000  }
0xc2: {  	[tilespmem:s18], [sflag:$0x2] =	stream.indirect.gather [hbm4b:s4+s17], $0x80, s0, s17, $0xb8;
	[tilespmem:$0x1C800] =	vst v63  }
0xc3: {  	_ =	swait.ge [sflag:s19], $0x4000  }
0xc4: {  	[sflag:s19] =	ssyncset.done $0x0  }
0xc5: {  	[sflag:s19] =	ssyncadd.s32 $0xFFFFC000  }
0xc6: {  	[spmem:s2] =	stream.indirect.scatter.add.f32 [tilespmem:s14], [sflag:$0x3], $0x80, s6, s17, $0xb8;
	[tilespmem:$0x1C800] =	vst v63  }
0xc7: {  	_ =	swait.ge [sflag:s15], $0x4000  }
0xc8: {  	[sflag:s15] =	ssyncset.done $0x0  }
0xc9: {  	[sflag:s15] =	ssyncadd.s32 $0xFFFFC000  }
0xca: {  	_ =	swait.ge [sflag:s21], $0x4000  }
.Ltmp1:
0xcb: {  	[sflag:s21] =	ssyncset.done $0x0;
	(pc) =	sbr.rel @p0 .LBB2_4-.Ltmp1, $4  }
0xcc: {  	[sflag:s21] =	ssyncadd.s32 $0xFFFFC000  }
0xcd: {  	[spmem:s2] =	stream.indirect.scatter.add.f32 [tilespmem:s18], [sflag:$0x3], $0x80, s7, s17, $0xb8;
	[tilespmem:$0x1C800] =	vst v63  }
0xce: {  	_ =	swait.ge [sflag:s15], $0x4000  }
0xcf: {  	s10 =	smov.u32 s11;
	[sflag:s15] =	ssyncset.done $0x0  }
0xd0: {  	s5 =	sadd.s32 s9, s13;
	[sflag:s15] =	ssyncadd.s32 $0xFFFFC000  }
0xd1: {  	[tilespmem:s3], [sflag:$0x3] =	stream.linear.gather [hbm4b:s5+s3], $0x400, $0x38;
	[tilespmem:$0x1C800] =	vst v63  }
0xd2: {  	_ =	swait.ge [sflag:s15], $0x400  }
0xd3: {  	[sflag:s15] =	ssyncset.done $0x0  }
0xd4: {  	s9 =	sadd.s32 s9, s12;
	[sflag:s15] =	ssyncadd.s32 $0xFFFFFC00  }
0xd5: {  	[tilespmem:s16], [sflag:$0x3] =	stream.linear.gather [hbm4b:s9+s3], $0x400, $0x38;
	[tilespmem:$0x1C800] =	vst v63  }
0xd6: {  	_ =	swait.ge [sflag:s15], $0x400  }
0xd7: {  	[sflag:s15] =	ssyncset.done $0x0  }
0xd8: {  	[sflag:s15] =	ssyncadd.s32 $0xFFFFFC00  }
0xd9: {  	[tilespmem:s14], [sflag:$0x1] =	stream.indirect.gather [hbm4b:s4+s17], $0x80, s3, s17, $0xb8;
	[tilespmem:$0x1C800] =	vst v63  }
0xda: {  	_ = 	snop  }
0xdb: {  	[tilespmem:s18], [sflag:$0x2] =	stream.indirect.gather [hbm4b:s4+s17], $0x80, s17, s17, $0xb8;
	[tilespmem:$0x1C800] =	vst v63  }
0xdc: {  	_ =	swait.ge [sflag:s19], $0x4000  }
0xdd: {  	[sflag:s19] =	ssyncset.done $0x0  }
0xde: {  	[sflag:s19] =	ssyncadd.s32 $0xFFFFC000  }
0xdf: {  	[spmem:s2] =	stream.indirect.scatter.add.f32 [tilespmem:s14], [sflag:$0x3], $0x80, s16, s17, $0xb8;
	[tilespmem:$0x1C800] =	vst v63  }
0xe0: {  	_ =	swait.ge [sflag:s15], $0x4000  }
0xe1: {  	[sflag:s15] =	ssyncset.done $0x0  }
0xe2: {  	[sflag:s15] =	ssyncadd.s32 $0xFFFFC000  }
0xe3: {  	[tilespmem:s14], [sflag:$0x1] =	stream.indirect.gather [hbm4b:s4+s17], $0x80, s20, s17, $0xb8;
	[tilespmem:$0x1C800] =	vst v63  }
0xe4: {  	_ =	swait.ge [sflag:s21], $0x4000  }
0xe5: {  	[sflag:s21] =	ssyncset.done $0x0  }
0xe6: {  	[sflag:s21] =	ssyncadd.s32 $0xFFFFC000  }
0xe7: {  	[spmem:s2] =	stream.indirect.scatter.add.f32 [tilespmem:s18], [sflag:$0x3], $0x80, s22, s17, $0xb8;
	[tilespmem:$0x1C800] =	vst v63  }
0xe8: {  	_ =	swait.ge [sflag:s15], $0x4000  }
0xe9: {  	[sflag:s15] =	ssyncset.done $0x0  }
0xea: {  	[sflag:s15] =	ssyncadd.s32 $0xFFFFC000  }
0xeb: {  	[tilespmem:s18], [sflag:$0x2] =	stream.indirect.gather [hbm4b:s4+s17], $0x80, s23, s17, $0xb8;
	[tilespmem:$0x1C800] =	vst v63  }
0xec: {  	_ =	swait.ge [sflag:s19], $0x4000  }
0xed: {  	[sflag:s19] =	ssyncset.done $0x0  }
0xee: {  	[sflag:s19] =	ssyncadd.s32 $0xFFFFC000  }
0xef: {  	[spmem:s2] =	stream.indirect.scatter.add.f32 [tilespmem:s14], [sflag:$0x3], $0x80, s24, s17, $0xb8;
	[tilespmem:$0x1C800] =	vst v63  }
0xf0: {  	_ =	swait.ge [sflag:s15], $0x4000  }
0xf1: {  	[sflag:s15] =	ssyncset.done $0x0  }
0xf2: {  	[sflag:s15] =	ssyncadd.s32 $0xFFFFC000  }
0xf3: {  	[tilespmem:s14], [sflag:$0x1] =	stream.indirect.gather [hbm4b:s4+s17], $0x80, s26, s17, $0xb8;
	[tilespmem:$0x1C800] =	vst v63  }
0xf4: {  	_ =	swait.ge [sflag:s21], $0x4000  }
0xf5: {  	[sflag:s21] =	ssyncset.done $0x0  }
0xf6: {  	[sflag:s21] =	ssyncadd.s32 $0xFFFFC000  }
0xf7: {  	[spmem:s2] =	stream.indirect.scatter.add.f32 [tilespmem:s18], [sflag:$0x3], $0x80, s28, s17, $0xb8;
	[tilespmem:$0x1C800] =	vst v63  }
0xf8: {  	_ =	swait.ge [sflag:s15], $0x4000  }
0xf9: {  	[sflag:s15] =	ssyncset.done $0x0  }
0xfa: {  	[sflag:s15] =	ssyncadd.s32 $0xFFFFC000  }
0xfb: {  	[tilespmem:s18], [sflag:$0x2] =	stream.indirect.gather [hbm4b:s4+s17], $0x80, s29, s17, $0xb8;
	[tilespmem:$0x1C800] =	vst v63  }
0xfc: {  	_ =	swait.ge [sflag:s19], $0x4000  }
0xfd: {  	[sflag:s19] =	ssyncset.done $0x0  }
0xfe: {  	[sflag:s19] =	ssyncadd.s32 $0xFFFFC000  }
0xff: {  	[spmem:s2] =	stream.indirect.scatter.add.f32 [tilespmem:s14], [sflag:$0x3], $0x80, s30, s17, $0xb8;
	[tilespmem:$0x1C800] =	vst v63  }
0x100: {  	_ =	swait.ge [sflag:s15], $0x4000  }
0x101: {  	[sflag:s15] =	ssyncset.done $0x0  }
0x102: {  	[sflag:s15] =	ssyncadd.s32 $0xFFFFC000  }
0x103: {  	[tilespmem:s14], [sflag:$0x1] =	stream.indirect.gather [hbm4b:s4+s17], $0x80, s31, s17, $0xb8;
	[tilespmem:$0x1C800] =	vst v63  }
0x104: {  	_ =	swait.ge [sflag:s21], $0x4000  }
0x105: {  	[sflag:s21] =	ssyncset.done $0x0  }
0x106: {  	[sflag:s21] =	ssyncadd.s32 $0xFFFFC000  }
0x107: {  	[spmem:s2] =	stream.indirect.scatter.add.f32 [tilespmem:s18], [sflag:$0x3], $0x80, s1, s17, $0xb8;
	[tilespmem:$0x1C800] =	vst v63  }
0x108: {  	_ =	swait.ge [sflag:s15], $0x4000  }
0x109: {  	[sflag:s15] =	ssyncset.done $0x0  }
0x10a: {  	[sflag:s15] =	ssyncadd.s32 $0xFFFFC000  }
0x10b: {  	[tilespmem:s18], [sflag:$0x2] =	stream.indirect.gather [hbm4b:s4+s17], $0x80, s0, s17, $0xb8;
	[tilespmem:$0x1C800] =	vst v63  }
0x10c: {  	_ =	swait.ge [sflag:s19], $0x4000  }
0x10d: {  	[sflag:s19] =	ssyncset.done $0x0  }
0x10e: {  	[sflag:s19] =	ssyncadd.s32 $0xFFFFC000  }
0x10f: {  	[spmem:s2] =	stream.indirect.scatter.add.f32 [tilespmem:s14], [sflag:$0x3], $0x80, s6, s17, $0xb8;
	[tilespmem:$0x1C800] =	vst v63  }
0x110: {  	_ =	swait.ge [sflag:s15], $0x4000  }
0x111: {  	[sflag:s15] =	ssyncset.done $0x0  }
0x112: {  	[sflag:s15] =	ssyncadd.s32 $0xFFFFC000  }
0x113: {  	_ =	swait.ge [sflag:s21], $0x4000  }
0x114: {  	[sflag:s21] =	ssyncset.done $0x0  }
0x115: {  	[sflag:s21] =	ssyncadd.s32 $0xFFFFC000  }
0x116: {  	[spmem:s2] =	stream.indirect.scatter.add.f32 [tilespmem:s18], [sflag:$0x3], $0x80, s7, s17, $0xb8;
	[tilespmem:$0x1C800] =	vst v63  }
0x117: {  	_ =	swait.ge [sflag:s15], $0x4000  }
0x118: {  	[sflag:s15] =	ssyncset.done $0x0  }
0x119: {  	[sflag:s15] =	ssyncadd.s32 $0xFFFFC000  }
0x11a: {  	s10 =	stileid.u32;
	[bflag:$0x0] =	sbarrier.arrive $0xFFFF  }
0x11b: {  	s5 =	sshll.u32 s10, $0x6;
	s11 =	rddreg [dreg:$0x6]  }
0x11c: {  	s5 =	sor.u32 $0x1C03, s5;
	s10 =	rddreg [dreg:$0xc]  }
0x11d: {  	[hbm:s11], [sflag:s5] =	dma.local [spmem:s10], $0x2800  }
0x11e: {  	_ =	swait.ge [sflag:s15], $0x2800  }
0x11f: {  	s8 =	sadd.s32 $0x1, s8;
	s25 =	rddreg [dreg:$0x7]  }
0x120: {  	p0 =	sne.s32 s8, s25  }
.Ltmp2:
0x121: {  	_ = 	snop;
	(pc) =	sbr.rel @p0 .LBB2_1-.Ltmp2, $3  }
0x122: {  	_ =	sdelay $0x1  }
0x123: {  	[sflag:s15] =	ssyncset.done $0x0  }
0x124: {  	[sflag:s15] =	ssyncadd.s32 $0xFFFFD800  }
0x125: {  	_ =	sfence.sel $0x180000  }
0x126: {  	[bflag:$0x0] =	sbarrier.arrive $0xFFFF  }
0x127: {  	_ =	strace $0x9000004D  }
0x128: {  	s0 =	stileid.u32;
	[bflag:$0x2] =	sbarrier.arrive $0xFFFF  }
0x129: {  	p0 =	sne.s32 s0, $0x0;
	s0 =	rddreg [dreg:$0x4]  }
0x12a: {  	s0 =	sadd.s32 @!p0 $0x100000, s0  }
0x12b: {  	[sflag:s0] =	ssyncadd.tile.s32 @!p0 $0x1;
	_ =	shalt  }
.Lfunc_end2:
_tile_overlayer_lowered:
.L_overlay_start_2:
0x12c: {  	(tag) =	ssettag $0x2  }
0x12d: {  	s0 =	rddreg [dreg:$0x0];
	s2 =	stileid.u32  }
0x12e: {  	s1 =	rddreg [dreg:$0x1];
	p0 =	sne.s32 s2, $0x0  }
0x12f: {  	s3 =	rddreg [dreg:$0x2];
	[bflag:$0x3] =	sbarrier.arrive $0xFFFF;
	s2 =	simm.s32 @!p0 $0x1C03  }
0x130: {  	[timem:s3], [sflag:s2] =	dma.local @!p0 [hbm:s0], s1  }
0x131: {  	s0 =	simm.s32 @!p0 $0x3  }
0x132: {  	_ =	swait.ge @!p0 [sflag:s0], s1  }
0x133: {  	s1 =	ssub.s32 @!p0 $0x0, s1;
	[sflag:s0] =	ssyncset.done @!p0 $0x0  }
0x134: {  	[sflag:s0] =	ssyncadd.s32 @!p0 s1  }
0x135: {  	[bflag:$0x3] =	sbarrier.arrive $0xFFFF  }
0x136: {  	_ =	shalt  }

// kernel: kernel.8.cloned.1.call-start
scs
__scs_entry_jumppad:
0x0: {  	(pc) =	sbr.rel $0x88, $3  }
0x1: {  	(tag) =	ssettag $0x0;
	lr =	simm.s32 $0x1  }
0x2: {  	[smem:$0x3F99] =	sst lr;
	_ =	strace $0xD0000000  }
0x3: {  	_ = 	snop  }
0x4: {  	_ = 	snop  }
0x5: {  	_ = 	snop  }
0x6: {  	_ = 	snop  }
0x7: {  	_ = 	snop  }
__scs_overlays_trampoline_lowered:
0x8: {  	[smem:$0x3FA8] =	sst s0  }
0x9: {  	[smem:$0x3FA9] =	sst s1  }
0xa: {  	[smem:$0x3FAA] =	sst s2  }
0xb: {  	[smem:$0x3FAB] =	sst s3  }
0xc: {  	[smem:$0x3FAC] =	sst s4  }
0xd: {  	[smem:$0x3FAD] =	sst s5  }
0xe: {  	[smem:$0x3FAE] =	sst s6  }
0xf: {  	[smem:$0x3FAF] =	sst s7  }
0x10: {  	[smem:$0x3FB0] =	sst s8  }
0x11: {  	[smem:$0x3FB1] =	sst s9;
	s0 =	simm.s32 @!p0 $0x0  }
0x12: {  	s1 =	sld [smem:$0x3F97];
	s0 =	simm.s32 @p0 $0x1  }
0x13: {  	[smem:$0x3FB2] =	sst s0;
	s0 =	simm.s32 @!p1 $0x0  }
0x14: {  	s2 =	sld [smem:$0x3F96];
	s0 =	simm.s32 @p1 $0x1  }
0x15: {  	[smem:$0x3FB3] =	sst s0;
	s0 =	simm.s32 @!p2 $0x0  }
0x16: {  	s3 =	sld [smem:$0x3FDB];
	s0 =	simm.s32 @p2 $0x1  }
0x17: {  	s4 =	simm.s32 $0x1BF5;
	[smem:$0x3FB5] =	sst s0  }
0x18: {  	s0 =	sld [smem:$0x3F98];
	_ =	swait.ge [sflag:s4], $0x0  }
0x19: {  	s7 =	sld [smem:$0x3F99]  }
0x1a: {  	s8 =	sadd.s32 $0xFFFFE003, lr  }
0x1b: {  	s9 =	sadd.s32 $0xFFFFFEF7, lr;
	s5 =	simm.s32 $0xFFFFFFFF;
	p2 =	slt.u32 s8, $0xFFFFF086  }
0x1c: {  	p1 =	slt.u32 s9, $0xF7A;
	s5 =	simm.s32 @!p2 $0x0  }
0x1d: {  	s5 =	simm.s32 @p1 $0x1;
	p0 =	seq.s32 s7, s2  }
0x1e: {  	s7 =	smul.u32 @!p0 $0xF7A, s2;
	p2 =	seq.s32 @!p0 s5, $0x0  }
0x1f: {  	s9 =	smul.u32 $0xF7A, s1;
	s8 =	simm.s32 @!p0 $0x1BF5;
	p2 =	por !p2, p0  }
0x20: {  	[sflag:s8] =	ssyncset.s32 @!p0 $0xFFFFF086;
	s6 =	sadd.s32 @!p0 s3, s7;
	s7 =	simm.s32 @!p0 $0x108  }
0x21: {  	s3 =	sadd.s32 s3, s9;
	s6 =	sadd.s32 @!p0 $0x88, s6;
	s7 =	simm.s32 @p2 $0x1082  }
0x22: {  	[simem:s7], [sflag:s8] =	dma.local @!p0 [hbm:s6], $0xF7A  }
0x23: {  	s9 =	sor.u32 $0xD0000000, s2;
	s6 =	simm.s32 $0x108;
	_ =	swait.ge @!p0 [sflag:s8], $0x0  }
0x24: {  	s3 =	sadd.s32 $0x88, s3;
	s6 =	simm.s32 @!p1 $0x1082;
	[sflag:s4] =	ssyncset.s32 $0xFFFFF086  }
0x25: {  	[simem:s6], [sflag:s4] =	dma.local [hbm:s3], $0xF7A  }
0x26: {  	[smem:$0x3F99] =	sst s1;
	(tag) =	ssettag s2;
	_ =	strace s9  }
0x27: {  	s1 =	sld [smem:$0x3FA9]  }
0x28: {  	s2 =	sld [smem:$0x3FAA]  }
0x29: {  	s4 =	sld [smem:$0x3FAC]  }
0x2a: {  	p0 =	seq.s32 s5, $0x0;
	s5 =	sld [smem:$0x3FAD]  }
0x2b: {  	s6 =	sld [smem:$0x3FAE]  }
0x2c: {  	s7 =	sld [smem:$0x3FAF]  }
0x2d: {  	s3 =	simm.s32 $0x108;
	s8 =	sld [smem:$0x3FB0]  }
0x2e: {  	s3 =	simm.s32 @!p0 $0x1082;
	s9 =	sld [smem:$0x3FB1]  }
0x2f: {  	lr =	sadd.s32 s0, s3;
	s0 =	sld [smem:$0x3FA8]  }
0x30: {  	s3 =	sld [smem:$0x3FAB]  }
0x31: {  	[smem:$0x3FB4] =	sst s10  }
0x32: {  	s10 =	sld [smem:$0x3FB2];
	_ =	sdelay $0x3  }
0x33: {  	p0 =	seq.s32 s10, $0x1;
	s10 =	sld [smem:$0x3FB4];
	_ =	sdelay $0x3  }
0x34: {  	[smem:$0x3FB4] =	sst s10  }
0x35: {  	s10 =	sld [smem:$0x3FB3];
	_ =	sdelay $0x3  }
0x36: {  	p1 =	seq.s32 s10, $0x1;
	s10 =	sld [smem:$0x3FB4];
	_ =	sdelay $0x3  }
0x37: {  	[smem:$0x3FB4] =	sst s10  }
0x38: {  	s10 =	sld [smem:$0x3FB5]  }
0x39: {  	_ = 	snop;
	(pc) =	sbr.ind lr, $3  }
0x3a: {  	_ = 	snop  }
0x3b: {  	_ = 	snop  }
0x3c: {  	p2 =	seq.s32 s10, $0x1;
	s10 =	sld [smem:$0x3FB4]  }
0x3d: {  	_ =	shalt  }
0x3e: {  	_ =	shalt  }
0x3f: {  	_ =	shalt  }
0x40: {  	_ =	shalt  }
0x41: {  	_ =	shalt  }
0x42: {  	_ =	shalt  }
0x43: {  	_ =	shalt  }
0x44: {  	_ =	shalt  }
0x45: {  	_ =	shalt  }
0x46: {  	_ =	shalt  }
0x47: {  	_ =	shalt  }
0x48: {  	_ =	shalt  }
0x49: {  	_ =	shalt  }
0x4a: {  	_ =	shalt  }
0x4b: {  	_ =	shalt  }
0x4c: {  	_ =	shalt  }
0x4d: {  	_ =	shalt  }
0x4e: {  	_ =	shalt  }
0x4f: {  	_ =	shalt  }
0x50: {  	_ =	shalt  }
0x51: {  	_ =	shalt  }
0x52: {  	_ =	shalt  }
0x53: {  	_ =	shalt  }
0x54: {  	_ =	shalt  }
0x55: {  	_ =	shalt  }
0x56: {  	_ =	shalt  }
0x57: {  	_ =	shalt  }
0x58: {  	_ =	shalt  }
0x59: {  	_ =	shalt  }
0x5a: {  	_ =	shalt  }
0x5b: {  	_ =	shalt  }
0x5c: {  	_ =	shalt  }
0x5d: {  	_ =	shalt  }
0x5e: {  	_ =	shalt  }
0x5f: {  	_ =	shalt  }
0x60: {  	_ =	shalt  }
0x61: {  	_ =	shalt  }
0x62: {  	_ =	shalt  }
0x63: {  	_ =	shalt  }
0x64: {  	_ =	shalt  }
0x65: {  	_ =	shalt  }
0x66: {  	_ =	shalt  }
0x67: {  	_ =	shalt  }
0x68: {  	_ =	shalt  }
0x69: {  	_ =	shalt  }
0x6a: {  	_ =	shalt  }
0x6b: {  	_ =	shalt  }
0x6c: {  	_ =	shalt  }
0x6d: {  	_ =	shalt  }
0x6e: {  	_ =	shalt  }
0x6f: {  	_ =	shalt  }
0x70: {  	_ =	shalt  }
0x71: {  	_ =	shalt  }
0x72: {  	_ =	shalt  }
0x73: {  	_ =	shalt  }
0x74: {  	_ =	shalt  }
0x75: {  	_ =	shalt  }
0x76: {  	_ =	shalt  }
0x77: {  	_ =	shalt  }
0x78: {  	_ =	shalt  }
0x79: {  	_ =	shalt  }
0x7a: {  	_ =	shalt  }
0x7b: {  	_ =	shalt  }
0x7c: {  	_ =	shalt  }
0x7d: {  	_ =	shalt  }
0x7e: {  	_ =	shalt  }
0x7f: {  	_ =	shalt  }
0x80: {  	_ =	shalt  }
0x81: {  	_ =	shalt  }
0x82: {  	_ =	shalt  }
0x83: {  	_ =	shalt  }
0x84: {  	_ =	shalt  }
0x85: {  	_ =	shalt  }
0x86: {  	_ =	shalt  }
0x87: {  	_ =	shalt  }
.Lfunc_end0:
.L_simem_size_0:
called_computation_lowered:
.L_overlay_start_0:
0x88: {  	s2 =	sld [smem:$0x3FD9]  }
0x89: {  	s3 =	sld [smem:$0x3FFE];
	_ =	sdelay $0x1  }
0x8a: {  	s1 =	srdreg.scid  }
0x8b: {  	s0 =	sand.u32 $0x1, s1  }
0x8c: {  	s14 =	sshll.u32 s0, $0xA;
	s2 =	sadd.s32 s3, s2  }
0x8d: {  	s2 =	sadd.s32 s2, s14  }
0x8e: {  	[smem:$0x3FC0] =	sst s2  }
0x8f: {  	_ = 	snop  }
0x90: {  	s2 =	sld [smem:$0x3FD0];
	_ =	sdelay $0x2  }
0x91: {  	s15 =	simm.s32 $0xA;
	s4 =	simm.s32 $0x10  }
0x92: {  	[smem:s4], [sflag:s15] =	dma.local [hbm:s2], $0x1  }
0x93: {  	_ =	swait.eq [sflag:s15], $0x1  }
0x94: {  	[sflag:s15] =	ssyncset.done $0x0  }
0x95: {  	[sflag:s15] =	ssyncadd.s32 $0xFFFFFFFF  }
0x96: {  	s16 =	sld [smem:$0x11];
	(tm) =	ssettm $0x1  }
0x97: {  	s17 =	sld [smem:$0x3FFB];
	_ =	sdelay $0x3  }
0x98: {  	_ =	strace s17  }
0x99: {  	s3 =	sld [smem:$0x3FFC];
	_ =	sdelay $0x3  }
0x9a: {  	_ =	strace s3  }
0x9b: {  	s3 =	sld [smem:$0x3FFD];
	_ =	sdelay $0x3  }
0x9c: {  	_ =	strace s3  }
0x9d: {  	_ =	strace $0x8FFFFFFF  }
0x9e: {  	s18 =	sld [smem:$0x3FDB];
	_ =	sdelay $0x1  }
0x9f: {  	s19 =	simm.s32 $_scs_section_size  }
0xa0: {  	s5 =	simm.s32 $_size__tile_overlayer_lowered;
	s6 =	simm.s32 $_tile_overlayer_lowered  }
0xa1: {  	s22 =	simm.s32 $0x1BFF;
	s21 =	sshll.u32 s6, $0x1;
	s3 =	sadd.s32 s19, s18  }
0xa2: {  	s7 =	simm.s32 $0x0;
	s20 =	sshll.u32 s5, $0x1;
	s5 =	sadd.s32 s21, s3  }
0xa3: {  	[timem:s7], [sflag:s22] =	dma.local [hbm:s5], s20  }
0xa4: {  	_ =	swait.ge [sflag:s22], s20  }
0xa5: {  	s4 =	ssub.s32 $0x0, s20;
	[sflag:s22] =	ssyncset.done $0x0  }
0xa6: {  	[sflag:s22] =	ssyncadd.s32 s4;
	_ =	sdelay $0x1  }
0xa7: {  	s23 =	simm.s32 $0x1B8B  }
0xa8: {  	_ =	swait.ge [sflag:s23], $0x1  }
0xa9: {  	[sflag:s23] =	ssyncset.done $0x0  }
0xaa: {  	s25 =	simm.s32 $0x1B8E;
	s24 =	sld [smem:$0x3FFE];
	[sflag:s23] =	ssyncadd.s32 $0xFFFFFFFF  }
0xab: {  	s26 =	simm.s32 $execute0_lowered;
	[smem:$0x3FD2] =	sst s25  }
0xac: {  	s5 =	sshll.u32 s26, $0x1;
	_ =	strace $0x80000046;
	[dreg:$0x1] =	wrdreg $0xFFFFFFFF  }
0xad: {  	s28 =	simm.s32 $_size_execute0_lowered;
	s3 =	sadd.s32 s3, s5;
	[dreg:$0x0] =	wrdreg $0x0  }
0xae: {  	s5 =	sshll.u32 s28, $0x1;
	[dreg:$0x2] =	wrdreg s3  }
0xaf: {  	[dreg:$0x3] =	wrdreg s5  }
0xb0: {  	[dreg:$0x4] =	wrdreg $0xC0  }
0xb1: {  	_ =	task [dreg:s7], $0x5FFFF  }
0xb2: {  	[dreg:$0x1] =	wrdreg $0xFFFFFFFF  }
0xb3: {  	[dreg:$0x0] =	wrdreg $0x60  }
0xb4: {  	[dreg:$0x2] =	wrdreg s16  }
0xb5: {  	[dreg:$0x3] =	wrdreg s24  }
0xb6: {  	[dreg:$0x4] =	wrdreg $0x2B000  }
0xb7: {  	[dreg:$0x5] =	wrdreg $0x9  }
0xb8: {  	_ =	task.clear_ibuf [dreg:s7], $0x6FFFF;
	_ =	strace $0x90000046  }
0xb9: {  	s29 =	simm.s32 $0x9;
	_ =	strace $0x80000048  }
0xba: {  	_ =	swait.ge [sflag:s29], $0x1  }
0xbb: {  	[sflag:s29] =	ssyncadd.s32 $0xFFFFFFFF  }
0xbc: {  	_ =	strace $0x90000048  }
0xbd: {  	_ =	sfence  }
0xbe: {  	s30 =	sld [smem:$0x0];
	_ =	sdelay $0x2  }
0xbf: {  	s31 =	sshll.u32 s1, $0xD;
	s1 =	sshrl.u32 s1, $0x2  }
0xc0: {  	s3 =	sand.u32 $0x4000, s31;
	s1 =	sadd.s32 s1, s30  }
0xc1: {  	s0 =	sor.u32 s3, s0;
	s1 =	sshll.u32 s1, $0x11  }
0xc2: {  	s0 =	sor.u32 s1, s0  }
0xc3: {  	s0 =	sadd.s32 $0x8F2B, s0  }
0xc4: {  	[sflag:s0] =	ssyncadd.remote.s32 $0x1  }
0xc5: {  	_ =	sfence.sel $0xFFFF  }
0xc6: {  	[dreg:$0x0] =	wrdreg $0xFFFFFFFF;
	(pc) =	sbr.abs _section_cstart, $3  }
0xc7: {  	[dreg:$0x1] =	wrdreg $0xFFFFFFFF  }
0xc8: {  	_ =	task.clear_ibuf [dreg:s7], $0x2FFFF;
	_ =	strace $0x9FFFFFFF  }
0xc9: {  	(tm) =	ssettm $0x7FFFFFFF  }
tec
execute0_lowered:
.L_overlay_start_1:
0x0: {  	(tag) =	ssettag $0x1  }
0x1: {  	s5 =	rddreg [dreg:$0x0]  }
0x2: {  	s4 =	rddreg [dreg:$0x1];
	s1 =	srdreg.scid  }
0x3: {  	s0 =	stileid.u32;
	s2 =	rddreg [dreg:$0x2];
	s3 =	simm.s32 $0x0  }
0x4: {  	s11 =	simm.s32 $0x2800;
	s6 =	sand.u32 $0x1, s1;
	s1 =	rddreg [dreg:$0x3]  }
0x5: {  	s14 =	simm.s32 $0x0;
	s7 =	smul.u32 $0x280, s0;
	[smem:$0x7FF] =	sst s3  }
0x6: {  	s12 =	sshll.u32 s0, $0x6;
	s8 =	smul.u32 $0x2800, s6;
	s9 =	sshll.u32 s6, $0x4  }
0x7: {  	s6 =	ssub.s32 $0x2, s6;
	_ =	strace $0x80000047;
	s9 =	sor.u32 s0, s9  }
0x8: {  	s10 =	sshrl.u32 s6, $0x1;
	s8 =	sadd.s32 s7, s8;
	s9 =	smul.u32 $0x500, s9  }
0x9: {  	s12 =	sor.u32 $0x1C01, s12;
	s10 =	ssub.s32 s6, s10;
	s8 =	sshrl.u32 s8, $0x3  }
0xa: {  	s8 =	sadd.s32 s8, s4;
	s4 =	sadd.s32 s7, s2;
	s5 =	sadd.s32 s5, s9  }
0xb: {  	s7 =	smax.u32 s10, $0x1;
	s9 =	simm.s32 $0x1;
	s10 =	simm.s32 $0x80  }
0xc: {  	v0 =	vimm.f32 $1.000000000e+00;
	v1 =	vimm.f32 $0.0e+00;
	s6 =	sadd.s32 $0x3000, s8;
	s8 =	simm.s32 $0x2880;
	s13 =	sshrl.u32 s4, $0x3  }
.LBB2_1:
0xd: {  	[tilespmem:$0x2800] =	vst v0  }
0xe: {  	[tilespmem:$0x2810] =	vst v0  }
0xf: {  	[tilespmem:$0x2820] =	vst v0  }
0x10: {  	[tilespmem:$0x2830] =	vst v0  }
0x11: {  	[tilespmem:$0x2840] =	vst v0  }
0x12: {  	[tilespmem:$0x2850] =	vst v0  }
0x13: {  	[tilespmem:$0x2860] =	vst v0  }
0x14: {  	[tilespmem:$0x2870] =	vst v0  }
0x15: {  	[tilespmem:$0x2880] =	vst v1  }
0x16: {  	[tilespmem:$0x2890] =	vst v1  }
0x17: {  	[tilespmem:$0x28A0] =	vst v1  }
0x18: {  	[tilespmem:$0x28B0] =	vst v1  }
0x19: {  	[tilespmem:$0x28C0] =	vst v1  }
0x1a: {  	[tilespmem:$0x28D0] =	vst v1  }
0x1b: {  	[tilespmem:$0x28E0] =	vst v1  }
0x1c: {  	[tilespmem:$0x28F0] =	vst v1  }
0x1d: {  	[tilespmem:$0x2900] =	vst v1  }
0x1e: {  	[tilespmem:$0x2910] =	vst v1  }
0x1f: {  	[tilespmem:$0x2920] =	vst v1  }
0x20: {  	[tilespmem:$0x2930] =	vst v1  }
0x21: {  	[tilespmem:$0x2940] =	vst v1  }
0x22: {  	[tilespmem:$0x2950] =	vst v1  }
0x23: {  	[tilespmem:$0x2960] =	vst v1  }
0x24: {  	[tilespmem:$0x2970] =	vst v1  }
0x25: {  	[tilespmem:$0x2980] =	vst v1  }
0x26: {  	[tilespmem:$0x2990] =	vst v1  }
0x27: {  	[tilespmem:$0x29A0] =	vst v1  }
0x28: {  	[tilespmem:$0x29B0] =	vst v1  }
0x29: {  	[tilespmem:$0x29C0] =	vst v1  }
0x2a: {  	[tilespmem:$0x29D0] =	vst v1  }
0x2b: {  	[tilespmem:$0x29E0] =	vst v1  }
0x2c: {  	[tilespmem:$0x29F0] =	vst v1  }
0x2d: {  	[tilespmem:$0x2A00] =	vst v1  }
0x2e: {  	[tilespmem:$0x2A10] =	vst v1  }
0x2f: {  	[tilespmem:$0x2A20] =	vst v1  }
0x30: {  	[tilespmem:$0x2A30] =	vst v1  }
0x31: {  	[tilespmem:$0x2A40] =	vst v1  }
0x32: {  	[tilespmem:$0x2A50] =	vst v1  }
0x33: {  	[tilespmem:$0x2A60] =	vst v1  }
0x34: {  	[tilespmem:$0x2A70] =	vst v1  }
0x35: {  	[tilespmem:$0x2A80] =	vst v1  }
0x36: {  	[tilespmem:$0x2A90] =	vst v1  }
0x37: {  	[tilespmem:$0x2AA0] =	vst v1  }
0x38: {  	[tilespmem:$0x2AB0] =	vst v1  }
0x39: {  	[tilespmem:$0x2AC0] =	vst v1  }
0x3a: {  	[tilespmem:$0x2AD0] =	vst v1  }
0x3b: {  	[tilespmem:$0x2AE0] =	vst v1  }
0x3c: {  	[tilespmem:$0x2AF0] =	vst v1  }
0x3d: {  	[spmem:s4] =	stream.linear.scatter [tilespmem:s8], [sflag:$0x1], $0x280, $0x38;
	[tilespmem:$0x2D80] =	vst v63  }
0x3e: {  	_ =	swait.ge [sflag:s9], $0x280  }
0x3f: {  	[sflag:s9] =	ssyncset.done $0x0  }
0x40: {  	[sflag:s9] =	ssyncadd.s32 $0xFFFFFD80  }
0x41: {  	[bflag:$0x0] =	sbarrier.arrive $0xFFFF  }
0x42: {  	[tilespmem:s3], [sflag:$0x1] =	stream.linear.gather [hbm4b:s5+s3], $0x2800, $0x38;
	[tilespmem:$0x2D80] =	vst v63  }
0x43: {  	_ =	swait.ge [sflag:s9], $0x2800  }
0x44: {  	[sflag:s9] =	ssyncset.done $0x0  }
0x45: {  	s15 =	simm.s32 $0x0;
	[sflag:s9] =	ssyncadd.s32 $0xFFFFD800  }
0x46: {  	[spmem:s2] =	stream.indirect.scatter.add.f32 [tilespmem:s11], [sflag:$0x1], $0x1, s15, s10, $0xb8;
	[tilespmem:$0x2D80] =	vst v63  }
0x47: {  	_ =	swait.ge [sflag:s9], $0x80  }
0x48: {  	s15 =	simm.s32 $0x200;
	[sflag:s9] =	ssyncset.done $0x0  }
.LBB2_2:
0x49: {  	s16 =	sshra.s32 s15, $0x2;
	[sflag:s9] =	ssyncadd.s32 $0xFFFFFF80;
	p0 =	sne.s32 s15, $0x9E00  }
0x4a: {  	[spmem:s2] =	stream.indirect.scatter.add.f32 [tilespmem:s11], [sflag:$0x1], $0x1, s16, s10, $0xb8;
	[tilespmem:$0x2D80] =	vst v63  }
.Ltmp0:
0x4b: {  	_ = 	snop;
	(pc) =	sbr.rel @p0 .LBB2_2-.Ltmp0, $4  }
0x4c: {  	_ = 	snop  }
0x4d: {  	s15 =	sadd.s32 $0x200, s15  }
0x4e: {  	_ =	swait.ge [sflag:s9], $0x80  }
0x4f: {  	[sflag:s9] =	ssyncset.done $0x0  }
0x50: {  	s14 =	sadd.s32 $0x1, s14  }
0x51: {  	[sflag:s9] =	ssyncadd.s32 $0xFFFFFF80;
	p0 =	sne.s32 s14, s7  }
.Ltmp1:
0x52: {  	[bflag:$0x0] =	sbarrier.arrive $0xFFFF;
	(pc) =	sbr.rel @p0 .LBB2_1-.Ltmp1, $4  }
0x53: {  	[hbm:s6], [sflag:s12] =	dma.local [spmem:s13], $0x50  }
0x54: {  	_ =	swait.ge [sflag:s9], $0x50  }
0x55: {  	[sflag:s9] =	ssyncset.done $0x0  }
0x56: {  	[sflag:s9] =	ssyncadd.s32 $0xFFFFFFB0  }
0x57: {  	_ =	sfence.sel $0x180000  }
0x58: {  	[bflag:$0x0] =	sbarrier.arrive $0xFFFF  }
0x59: {  	p0 =	sne.s32 s0, $0x0;
	_ =	strace $0x90000047  }
0x5a: {  	s0 =	sadd.s32 @!p0 $0x100000, s1;
	[bflag:$0x2] =	sbarrier.arrive $0xFFFF  }
0x5b: {  	[sflag:s0] =	ssyncadd.tile.s32 @!p0 $0x1;
	_ =	shalt  }
.Lfunc_end2:
_tile_overlayer_lowered:
.L_overlay_start_2:
0x5c: {  	(tag) =	ssettag $0x2  }
0x5d: {  	s0 =	rddreg [dreg:$0x0];
	s2 =	stileid.u32  }
0x5e: {  	s1 =	rddreg [dreg:$0x1];
	p0 =	sne.s32 s2, $0x0  }
0x5f: {  	s3 =	rddreg [dreg:$0x2];
	[bflag:$0x3] =	sbarrier.arrive $0xFFFF;
	s2 =	simm.s32 @!p0 $0x1C01  }
0x60: {  	[timem:s3], [sflag:s2] =	dma.local @!p0 [hbm:s0], s1  }
0x61: {  	s0 =	simm.s32 @!p0 $0x1  }
0x62: {  	_ =	swait.ge @!p0 [sflag:s0], s1  }
0x63: {  	s1 =	ssub.s32 @!p0 $0x0, s1;
	[sflag:s0] =	ssyncset.done @!p0 $0x0  }
0x64: {  	[sflag:s0] =	ssyncadd.s32 @!p0 s1  }
0x65: {  	[bflag:$0x3] =	sbarrier.arrive $0xFFFF  }
0x66: {  	_ =	shalt  }

</sc_bundles>
